<compile_context>
chip_gen: v7x
topology: tpu7x:2x2x1
jax: 0.10.2.dev20260603
libtpu: 0.0.44.dev20260713+nightly
codegen_flags: <defaults>
</compile_context>

<pallas_src>
import functools

import jax
import jax.numpy as jnp
from jax import lax
from jax.experimental import pallas as pl
from jax.experimental.pallas import tpu as pltpu
from jax.experimental.pallas import tpu_sc as plsc

N = 10000
E = 160000
D = 256
NSUB = 16
NCORE = 2
CHUNK = 128
NCHUNK = 79
EPT = NCHUNK * CHUNK
EPAD = NSUB * EPT
NPAD = 10240
NACC = 10240
ROWS_PER_TILE = NACC // NSUB
DEG_PER_TILE = NPAD // NSUB
TRASH = N
BLK = 1000
HALF = D // 2

_mesh = plsc.VectorSubcoreMesh(
    core_axis_name="c", subcore_axis_name="s",
    num_cores=NCORE, num_subcores=NSUB)

_f32 = jnp.float32


def _zero_vmem_2d(ref, nrows, ncols):
    z = jnp.zeros((16,), _f32)

    def body(i, _):
        def inner(j, _):
            ref[i, pl.ds(j * 16, 16)] = z
            return 0
        return lax.fori_loop(0, ncols // 16, inner, 0)
    lax.fori_loop(0, nrows, body, 0)


def _fill_vmem_1d(ref, n, val):
    v = jnp.full((16,), val, _f32)

    def body(j, _):
        ref[pl.ds(j * 16, 16)] = v
        return 0
    lax.fori_loop(0, n // 16, body, 0)



@functools.partial(
    pl.kernel,
    out_type=(jax.ShapeDtypeStruct((NPAD,), _f32),
              jax.ShapeDtypeStruct((NPAD,), _f32)),
    mesh=_mesh,
    scratch_types=[
        pltpu.VMEM_SHARED((NPAD,), _f32),
        pltpu.VMEM((NCHUNK, CHUNK), jnp.int32),
        pltpu.VMEM((CHUNK,), _f32),
        pltpu.VMEM((DEG_PER_TILE,), _f32),
    ],
)
def _deg_kernel(rowd3, cold3, rdeg, cdeg, acc, idx, ones, zb):
    c = lax.axis_index("c")
    s = lax.axis_index("s")
    _fill_vmem_1d(ones, CHUNK, 1.0)
    _fill_vmem_1d(zb, DEG_PER_TILE, 0.0)
    pltpu.sync_copy(zb, acc.at[pl.ds(s * DEG_PER_TILE, DEG_PER_TILE)])

    def run(ei3, out):
        pltpu.sync_copy(ei3.at[s], idx)
        plsc.subcore_barrier()

        def step(i, _):
            pltpu.sync_copy(ones, acc.at[idx.at[i]], add=True)
            return 0
        lax.fori_loop(0, NCHUNK, step, 0)
        plsc.subcore_barrier()
        sl = pl.ds(s * DEG_PER_TILE, DEG_PER_TILE)
        pltpu.sync_copy(acc.at[sl], out.at[sl])

    @pl.when(c == 0)
    def _():
        run(rowd3, rdeg)

    @pl.when(c == 1)
    def _():
        run(cold3, cdeg)



@functools.partial(
    pl.kernel,
    out_type=(jax.ShapeDtypeStruct((NACC, HALF), _f32),
              jax.ShapeDtypeStruct((NACC, HALF), _f32)),
    mesh=_mesh,
    scratch_types=[
        pltpu.VMEM_SHARED((NACC, HALF), _f32),
        pltpu.VMEM((NCHUNK, CHUNK), jnp.int32),
        pltpu.VMEM((NCHUNK, CHUNK), jnp.int32),
        pltpu.VMEM((CHUNK, HALF), _f32),
    ],
)
def _spmm_kernel(g_lo, g_hi, rowg3, cold3, s_lo, s_hi,
                 acc, idxr, idxc, rows):
    c = lax.axis_index("c")
    s = lax.axis_index("s")
    zrows = ROWS_PER_TILE // 5
    _zero_vmem_2d(rows, zrows, HALF)
    base = s * ROWS_PER_TILE

    def zstep(k, _):
        pltpu.sync_copy(rows.at[pl.ds(0, zrows)],
                        acc.at[pl.ds(base + k * zrows, zrows)])
        return 0
    lax.fori_loop(0, 5, zstep, 0)

    def run(g_ref, out_ref):
        pltpu.sync_copy(rowg3.at[s], idxr)
        pltpu.sync_copy(cold3.at[s], idxc)
        plsc.subcore_barrier()

        def step(i, _):
            pltpu.sync_copy(g_ref.at[idxr.at[i]], rows)
            pltpu.sync_copy(rows, acc.at[idxc.at[i]], add=True)
            return 0
        lax.fori_loop(0, NCHUNK, step, 0)
        plsc.subcore_barrier()
        sl = pl.ds(s * ROWS_PER_TILE, ROWS_PER_TILE)
        pltpu.sync_copy(acc.at[sl], out_ref.at[sl])

    @pl.when(c == 0)
    def _():
        run(g_lo, s_lo)

    @pl.when(c == 1)
    def _():
        run(g_hi, s_hi)



def _mm1_body(x_ref, w_ref, b_ref, rd_ref, lo_ref, hi_ref):
    p = lax.dot_general(x_ref[...], w_ref[...], (((1,), (1,)), ((), ())),
                        preferred_element_type=_f32) + b_ref[...]
    g = p * lax.rsqrt(rd_ref[...] + 1.0)
    lo_ref[...] = g[:, :HALF]
    hi_ref[...] = g[:, HALF:]


def _mm2_body(slo_ref, shi_ref, glo_ref, ghi_ref, cd_ref, rd_ref,
              w_ref, b_ref, a_ref, lo_ref, hi_ref):
    cdr = cd_ref[...] + 1.0
    cs = lax.rsqrt(cdr) / cdr
    h = jnp.concatenate([slo_ref[...] + glo_ref[...],
                         shi_ref[...] + ghi_ref[...]], axis=1) * cs
    h = jnp.where(h >= 0, h, a_ref[0, 0] * h)
    p = lax.dot_general(h, w_ref[...], (((1,), (1,)), ((), ())),
                        preferred_element_type=_f32) + b_ref[...]
    g = p * lax.rsqrt(rd_ref[...] + 1.0)
    lo_ref[...] = g[:, :HALF]
    hi_ref[...] = g[:, HALF:]


def _mm3_body(slo_ref, shi_ref, glo_ref, ghi_ref, cd_ref, z_ref):
    cdr = cd_ref[...] + 1.0
    cs = lax.rsqrt(cdr) / cdr
    z_ref[...] = jnp.concatenate([slo_ref[...] + glo_ref[...],
                                  shi_ref[...] + ghi_ref[...]], axis=1) * cs


def _blk(shape, imap):
    return pl.BlockSpec(shape, imap)


_row = lambda i: (i, 0)
_rep = lambda i: (0, 0)

_mm1 = pl.pallas_call(
    _mm1_body,
    grid=(N // BLK,),
    in_specs=[_blk((BLK, D), _row), _blk((D, D), _rep), _blk((1, D), _rep),
              _blk((BLK, 1), _row)],
    out_specs=[_blk((BLK, HALF), _row), _blk((BLK, HALF), _row)],
    out_shape=(jax.ShapeDtypeStruct((N, HALF), _f32),
               jax.ShapeDtypeStruct((N, HALF), _f32)),
)

_mm2 = pl.pallas_call(
    _mm2_body,
    grid=(N // BLK,),
    in_specs=[_blk((BLK, HALF), _row)] * 4
             + [_blk((BLK, 1), _row), _blk((BLK, 1), _row),
                _blk((D, D), _rep), _blk((1, D), _rep), _blk((1, 1), _rep)],
    out_specs=[_blk((BLK, HALF), _row), _blk((BLK, HALF), _row)],
    out_shape=(jax.ShapeDtypeStruct((N, HALF), _f32),
               jax.ShapeDtypeStruct((N, HALF), _f32)),
)

_mm3 = pl.pallas_call(
    _mm3_body,
    grid=(N // BLK,),
    in_specs=[_blk((BLK, HALF), _row)] * 4 + [_blk((BLK, 1), _row)],
    out_specs=_blk((BLK, D), _row),
    out_shape=jax.ShapeDtypeStruct((N, D), _f32),
)


def kernel(x, edge_index, W1, b1, W2, b2, prelu_a):
    row = edge_index[0].astype(jnp.int32)
    col = edge_index[1].astype(jnp.int32)
    pad = EPAD - E
    rowd3 = jnp.concatenate([row, jnp.full((pad,), TRASH, jnp.int32)]
                            ).reshape(NSUB, NCHUNK, CHUNK)
    cold3 = jnp.concatenate([col, jnp.full((pad,), TRASH, jnp.int32)]
                            ).reshape(NSUB, NCHUNK, CHUNK)
    rowg3 = jnp.concatenate([row, jnp.zeros((pad,), jnp.int32)]
                            ).reshape(NSUB, NCHUNK, CHUNK)

    rdeg, cdeg = _deg_kernel(rowd3, cold3)
    rd = rdeg[:N].reshape(N, 1)
    cd = cdeg[:N].reshape(N, 1)

    b1r = b1.reshape(1, D)
    b2r = b2.reshape(1, D)
    ar = prelu_a.reshape(1, 1)

    g1lo, g1hi = _mm1(x, W1, b1r, rd)
    s1lo, s1hi = _spmm_kernel(g1lo, g1hi, rowg3, cold3)
    g2lo, g2hi = _mm2(s1lo, s1hi, g1lo, g1hi, cd, rd, W2, b2r, ar)
    s2lo, s2hi = _spmm_kernel(g2lo, g2hi, rowg3, cold3)
    return _mm3(s2lo, s2hi, g2lo, g2hi, cd)

# --- scband reference (transcript-rebuilt; emitter-appended) ---
"""Pipeline reference for scband-link-net-11828339933586 (READ-ONLY COPY).

The authoritative reference and input builder live on the scoring server;
editing this copy changes nothing except your own understanding.
"""

import jax, jax.numpy as jnp
import numpy as np

N = 10000
E = 160000
D = 256
H = 256


def setup_inputs(seed: int = 0) -> dict:
    key = jax.random.key(seed)
    k1, k2, k3, k4 = jax.random.split(key, 4)
    x = jax.random.normal(k1, (N, D), dtype=jnp.float32)
    edge_index = jax.random.randint(k2, (2, E), 0, N)
    W1 = jax.random.normal(k3, (H, D), dtype=jnp.float32) * 0.05
    b1 = jnp.zeros((H,), dtype=jnp.float32)
    W2 = jax.random.normal(k4, (H, H), dtype=jnp.float32) * 0.05
    b2 = jnp.zeros((H,), dtype=jnp.float32)
    prelu_a = jnp.asarray(0.25, dtype=jnp.float32)
    return {"x": x, "edge_index": edge_index, "W1": W1, "b1": b1, "W2": W2, "b2": b2, "prelu_a": prelu_a}


def _gcn_conv(x, edge_index, W, b):
    n = x.shape[0]
    loop = jnp.arange(n, dtype=edge_index.dtype)
    ei = jnp.concatenate([edge_index, jnp.stack([loop, loop])], axis=1)
    x = x @ W.T + b
    row, col = ei[0], ei[1]
    ones = jnp.ones(ei.shape[1], dtype=x.dtype)
    col_deg = jax.ops.segment_sum(ones, col, num_segments=n)
    row_deg = jax.ops.segment_sum(ones, row, num_segments=n)
    norm = (row_deg ** -0.5)[row] * (col_deg ** -0.5)[col]
    msg = norm[:, None] * x[row]
    agg = jax.ops.segment_sum(msg, col, num_segments=n)
    cnt = jnp.maximum(col_deg, 1.0)
    return agg / cnt[:, None]


def reference(x, edge_index, W1, b1, W2, b2, prelu_a):
    # LinkNet.encode with num_layers=2, no pair_norm, no drop_edge, PReLU between layers
    h = _gcn_conv(x, edge_index, W1, b1)
    h = jnp.where(h >= 0, h, prelu_a * h)
    z = _gcn_conv(h, edge_index, W2, b2)
    return z

if __name__ == "__main__":
    import jax
    _d = setup_inputs()
    print(jax.jit(kernel)(*tuple(_d.values())))

</pallas_src>

<mosaic_0001>
#map = affine_map<(d0, d1) -> (0, 0)>
#map1 = affine_map<(d0, d1) -> (0, 0, 0)>
module attributes {stable_mosaic.version = 14 : i64} {
  func.func @_spmm_kernel(%arg0: i32, %arg1: i32, %arg2: memref<10000x128xf32, #tpu.memory_space<hbm>>, %arg3: memref<10000x128xf32, #tpu.memory_space<hbm>>, %arg4: memref<16x79x128xi32, #tpu.memory_space<hbm>>, %arg5: memref<16x79x128xi32, #tpu.memory_space<hbm>>, %arg6: memref<10240x128xf32, #tpu.memory_space<hbm>>, %arg7: memref<10240x128xf32, #tpu.memory_space<hbm>>, %arg8: memref<10240x128xf32, #tpu.memory_space<vmem_shared>>, %arg9: memref<79x128xi32, #tpu.memory_space<vmem>>, %arg10: memref<79x128xi32, #tpu.memory_space<vmem>>, %arg11: memref<128x128xf32, #tpu.memory_space<vmem>>) attributes {dimension_semantics = [#tpu.dimension_semantics<core_parallel>, #tpu.dimension_semantics<subcore_parallel>], iteration_bounds = array<i64: 2, 16>, scalar_prefetch = 0 : i64, scratch_operands = 4 : i64, tpu.core_type = #tpu.core_type<sc_vector_subcore>, window_params = [{transform_indices = #map}, {transform_indices = #map}, {transform_indices = #map1}, {transform_indices = #map1}, {transform_indices = #map}, {transform_indices = #map}]} {
    %broadcast_in_dim3A = arith.constant 0.000000e+00 : f32
    %broadcast_in_dim3A_0 = vector.broadcast %broadcast_in_dim3A : f32 to vector<16xf32>
    %scan3A = arith.constant 0 : i32
    %scan3A_1 = arith.constant 0 : i32
    %scan3A_2 = arith.constant 128 : i32
    %scan3A_3 = arith.addi %scan3A_1, %scan3A_2 : i32
    %scan3A_4 = arith.constant 1 : i32
    %scan3A_5 = scf.for %scan3A_22 = %scan3A_1 to %scan3A_3 step %scan3A_4 iter_args(%scan3A_23 = %scan3A) -> (i32)  : i32 {
      %scan3A_24 = arith.constant 0 : i32
      %scan3A_25 = arith.constant 0 : i32
      %scan3A_26 = arith.constant 8 : i32
      %scan3A_27 = arith.addi %scan3A_25, %scan3A_26 : i32
      %scan3A_28 = arith.constant 1 : i32
      %scan3A_29 = scf.for %scan3A_31 = %scan3A_25 to %scan3A_27 step %scan3A_28 iter_args(%scan3A_32 = %scan3A_24) -> (i32)  : i32 {
        %mul3A_33 = arith.constant 16 : i32
        %mul3A_34 = arith.muli %scan3A_31, %mul3A_33 : i32
        %swap3A = arith.index_cast %scan3A_22 : i32 to index
        %swap3A_35 = arith.index_cast %mul3A_34 : i32 to index
        %swap3A_36 = tpu.vector_load %arg11[%swap3A, %swap3A_35] {strides = array<i32>} : memref<128x128xf32, #tpu.memory_space<vmem>>, vector<1x16xf32>,
        %swap3A_37 = vector.shape_cast %swap3A_36 : vector<1x16xf32> to vector<16xf32>
        %swap3A_38 = vector.shape_cast %broadcast_in_dim3A_0 : vector<16xf32> to vector<1x16xf32>
        tpu.vector_store %arg11[%swap3A, %swap3A_35], %swap3A_38 {strides = array<i32>} : memref<128x128xf32, #tpu.memory_space<vmem>>, vector<1x16xf32>,
        %scan3A_39 = arith.constant 0 : i32
        scf.yield %scan3A_39 : i32
      }
      %scan3A_30 = arith.constant 8 : i32
      scf.yield %scan3A_29 : i32
    }
    %scan3A_6 = arith.constant 128 : i32
    %mul3A = arith.constant 640 : i32
    %mul3A_7 = arith.muli %arg1, %mul3A : i32
    %scan3A_8 = arith.constant 0 : i32
    %scan3A_9 = arith.constant 0 : i32
    %scan3A_10 = arith.constant 5 : i32
    %scan3A_11 = arith.addi %scan3A_9, %scan3A_10 : i32
    %scan3A_12 = arith.constant 1 : i32
    %scan3A_13 = scf.for %scan3A_22 = %scan3A_9 to %scan3A_11 step %scan3A_12 iter_args(%scan3A_23 = %scan3A_8) -> (i32)  : i32 {
      %mul3A_24 = arith.constant 128 : i32
      %mul3A_25 = arith.muli %scan3A_22, %mul3A_24 : i32
      %add3A = arith.addi %mul3A_7, %mul3A_25 : i32
      "tpu.region"() ({
        %run_scoped3A = tpu.sem_alloc : memref<!tpu.dma_semaphore, #tpu.memory_space<semaphore_mem>>
        %dma_start3A = arith.constant 0 : i32
        %dma_start3A_27 = arith.constant 0 : i32
        %dma_start3A_28 = tpu.memref_slice %arg11[%dma_start3A, %dma_start3A_27] : memref<128x128xf32, #tpu.memory_space<vmem>> -> memref<128x128xf32, #tpu.memory_space<vmem>>
        %dma_start3A_29 = arith.constant 0 : i32
        %dma_start3A_30 = tpu.memref_slice %arg8[%add3A, %dma_start3A_29] : memref<10240x128xf32, #tpu.memory_space<vmem_shared>> -> memref<128x128xf32, #tpu.memory_space<vmem_shared>>
        %dma_start3A_31 = arith.constant 0 : i32
        %dma_start3A_32 = tpu.memref_slice %arg8[%add3A, %dma_start3A_31] : memref<10240x128xf32, #tpu.memory_space<vmem_shared>> -> memref<128x128xf32, #tpu.memory_space<vmem_shared>>
        %dma_start3A_33 = arith.constant 0 : i32
        %dma_start3A_34 = arith.constant 0 : i32
        %dma_start3A_35 = tpu.memref_slice %arg11[%dma_start3A_33, %dma_start3A_34] : memref<128x128xf32, #tpu.memory_space<vmem>> -> memref<128x128xf32, #tpu.memory_space<vmem>>
        tpu.enqueue_dma source(%dma_start3A_35 : memref<128x128xf32, #tpu.memory_space<vmem>>) target(%dma_start3A_32 : memref<128x128xf32, #tpu.memory_space<vmem_shared>>) target_semaphore(%run_scoped3A : memref<!tpu.dma_semaphore, #tpu.memory_space<semaphore_mem>>)
        %dma_wait3A = arith.constant 0 : i32
        %dma_wait3A_36 = arith.constant 0 : i32
        %dma_wait3A_37 = tpu.memref_slice %arg11[%dma_wait3A, %dma_wait3A_36] : memref<128x128xf32, #tpu.memory_space<vmem>> -> memref<128x128xf32, #tpu.memory_space<vmem>>
        %dma_wait3A_38 = arith.constant 0 : i32
        %dma_wait3A_39 = tpu.memref_slice %arg8[%add3A, %dma_wait3A_38] : memref<10240x128xf32, #tpu.memory_space<vmem_shared>> -> memref<128x128xf32, #tpu.memory_space<vmem_shared>>
        %dma_wait3A_40 = arith.constant 0 : i32
        %dma_wait3A_41 = tpu.memref_slice %arg8[%add3A, %dma_wait3A_40] : memref<10240x128xf32, #tpu.memory_space<vmem_shared>> -> memref<128x128xf32, #tpu.memory_space<vmem_shared>>
        %dma_wait3A_42 = arith.constant 0 : i32
        %dma_wait3A_43 = arith.constant 0 : i32
        %dma_wait3A_44 = tpu.memref_slice %arg11[%dma_wait3A_42, %dma_wait3A_43] : memref<128x128xf32, #tpu.memory_space<vmem>> -> memref<128x128xf32, #tpu.memory_space<vmem>>
        tpu.wait_dma2 semaphore(%run_scoped3A : memref<!tpu.dma_semaphore, #tpu.memory_space<semaphore_mem>>) src(%dma_wait3A_44 : memref<128x128xf32, #tpu.memory_space<vmem>>) dst(%dma_wait3A_41 : memref<128x128xf32, #tpu.memory_space<vmem_shared>>)
        tpu.yield
      }) : () -> ()
      %scan3A_26 = arith.constant 0 : i32
      scf.yield %scan3A_26 : i32
    }
    %scan3A_14 = arith.constant 5 : i32
    %eq3A = arith.constant 0 : i32
    %eq3A_15 = arith.cmpi eq, %arg0, %eq3A : i32
    %convert_element_type3A = arith.extui %eq3A_15 : i1 to i32
    %cond3A = arith.constant 0 : i32
    %cond3A_16 = arith.cmpi ne, %convert_element_type3A, %cond3A : i32
    scf.if %cond3A_16 {
      "tpu.region"() ({
        %run_scoped3A = tpu.sem_alloc : memref<!tpu.dma_semaphore, #tpu.memory_space<semaphore_mem>>
        %dma_start3A = arith.constant 0 : i32
        %dma_start3A_32 = arith.constant 0 : i32
        %dma_start3A_33 = tpu.memref_slice %arg4[%arg1, %dma_start3A, %dma_start3A_32] : memref<16x79x128xi32, #tpu.memory_space<hbm>> -> memref<1x79x128xi32, #tpu.memory_space<hbm>>
        %dma_start3A_34 = tpu.memref_squeeze %dma_start3A_33 : memref<1x79x128xi32, #tpu.memory_space<hbm>> -> memref<79x128xi32, #tpu.memory_space<hbm>>
        %dma_start3A_35 = arith.constant 0 : i32
        %dma_start3A_36 = arith.constant 0 : i32
        %dma_start3A_37 = tpu.memref_slice %arg4[%arg1, %dma_start3A_35, %dma_start3A_36] : memref<16x79x128xi32, #tpu.memory_space<hbm>> -> memref<1x79x128xi32, #tpu.memory_space<hbm>>
        %dma_start3A_38 = tpu.memref_squeeze %dma_start3A_37 : memref<1x79x128xi32, #tpu.memory_space<hbm>> -> memref<79x128xi32, #tpu.memory_space<hbm>>
        tpu.enqueue_dma source(%dma_start3A_38 : memref<79x128xi32, #tpu.memory_space<hbm>>) target(%arg9 : memref<79x128xi32, #tpu.memory_space<vmem>>) target_semaphore(%run_scoped3A : memref<!tpu.dma_semaphore, #tpu.memory_space<semaphore_mem>>)
        %dma_wait3A = arith.constant 0 : i32
        %dma_wait3A_39 = arith.constant 0 : i32
        %dma_wait3A_40 = tpu.memref_slice %arg4[%arg1, %dma_wait3A, %dma_wait3A_39] : memref<16x79x128xi32, #tpu.memory_space<hbm>> -> memref<1x79x128xi32, #tpu.memory_space<hbm>>
        %dma_wait3A_41 = tpu.memref_squeeze %dma_wait3A_40 : memref<1x79x128xi32, #tpu.memory_space<hbm>> -> memref<79x128xi32, #tpu.memory_space<hbm>>
        %dma_wait3A_42 = arith.constant 0 : i32
        %dma_wait3A_43 = arith.constant 0 : i32
        %dma_wait3A_44 = tpu.memref_slice %arg4[%arg1, %dma_wait3A_42, %dma_wait3A_43] : memref<16x79x128xi32, #tpu.memory_space<hbm>> -> memref<1x79x128xi32, #tpu.memory_space<hbm>>
        %dma_wait3A_45 = tpu.memref_squeeze %dma_wait3A_44 : memref<1x79x128xi32, #tpu.memory_space<hbm>> -> memref<79x128xi32, #tpu.memory_space<hbm>>
        tpu.wait_dma2 semaphore(%run_scoped3A : memref<!tpu.dma_semaphore, #tpu.memory_space<semaphore_mem>>) src(%dma_wait3A_45 : memref<79x128xi32, #tpu.memory_space<hbm>>) dst(%arg9 : memref<79x128xi32, #tpu.memory_space<vmem>>)
        tpu.yield
      }) : () -> ()
      "tpu.region"() ({
        %run_scoped3A = tpu.sem_alloc : memref<!tpu.dma_semaphore, #tpu.memory_space<semaphore_mem>>
        %dma_start3A = arith.constant 0 : i32
        %dma_start3A_32 = arith.constant 0 : i32
        %dma_start3A_33 = tpu.memref_slice %arg5[%arg1, %dma_start3A, %dma_start3A_32] : memref<16x79x128xi32, #tpu.memory_space<hbm>> -> memref<1x79x128xi32, #tpu.memory_space<hbm>>
        %dma_start3A_34 = tpu.memref_squeeze %dma_start3A_33 : memref<1x79x128xi32, #tpu.memory_space<hbm>> -> memref<79x128xi32, #tpu.memory_space<hbm>>
        %dma_start3A_35 = arith.constant 0 : i32
        %dma_start3A_36 = arith.constant 0 : i32
        %dma_start3A_37 = tpu.memref_slice %arg5[%arg1, %dma_start3A_35, %dma_start3A_36] : memref<16x79x128xi32, #tpu.memory_space<hbm>> -> memref<1x79x128xi32, #tpu.memory_space<hbm>>
        %dma_start3A_38 = tpu.memref_squeeze %dma_start3A_37 : memref<1x79x128xi32, #tpu.memory_space<hbm>> -> memref<79x128xi32, #tpu.memory_space<hbm>>
        tpu.enqueue_dma source(%dma_start3A_38 : memref<79x128xi32, #tpu.memory_space<hbm>>) target(%arg10 : memref<79x128xi32, #tpu.memory_space<vmem>>) target_semaphore(%run_scoped3A : memref<!tpu.dma_semaphore, #tpu.memory_space<semaphore_mem>>)
        %dma_wait3A = arith.constant 0 : i32
        %dma_wait3A_39 = arith.constant 0 : i32
        %dma_wait3A_40 = tpu.memref_slice %arg5[%arg1, %dma_wait3A, %dma_wait3A_39] : memref<16x79x128xi32, #tpu.memory_space<hbm>> -> memref<1x79x128xi32, #tpu.memory_space<hbm>>
        %dma_wait3A_41 = tpu.memref_squeeze %dma_wait3A_40 : memref<1x79x128xi32, #tpu.memory_space<hbm>> -> memref<79x128xi32, #tpu.memory_space<hbm>>
        %dma_wait3A_42 = arith.constant 0 : i32
        %dma_wait3A_43 = arith.constant 0 : i32
        %dma_wait3A_44 = tpu.memref_slice %arg5[%arg1, %dma_wait3A_42, %dma_wait3A_43] : memref<16x79x128xi32, #tpu.memory_space<hbm>> -> memref<1x79x128xi32, #tpu.memory_space<hbm>>
        %dma_wait3A_45 = tpu.memref_squeeze %dma_wait3A_44 : memref<1x79x128xi32, #tpu.memory_space<hbm>> -> memref<79x128xi32, #tpu.memory_space<hbm>>
        tpu.wait_dma2 semaphore(%run_scoped3A : memref<!tpu.dma_semaphore, #tpu.memory_space<semaphore_mem>>) src(%dma_wait3A_45 : memref<79x128xi32, #tpu.memory_space<hbm>>) dst(%arg10 : memref<79x128xi32, #tpu.memory_space<vmem>>)
        tpu.yield
      }) : () -> ()
      %barrier3A = arith.constant 0 : index
      tpu.barrier barrier_id(%barrier3A)
      %scan3A_22 = arith.constant 0 : i32
      %scan3A_23 = arith.constant 0 : i32
      %scan3A_24 = arith.constant 79 : i32
      %scan3A_25 = arith.addi %scan3A_23, %scan3A_24 : i32
      %scan3A_26 = arith.constant 1 : i32
      %scan3A_27 = scf.for %scan3A_32 = %scan3A_23 to %scan3A_25 step %scan3A_26 iter_args(%scan3A_33 = %scan3A_22) -> (i32)  : i32 {
        "tpu.region"() ({
          %run_scoped3A = tpu.sem_alloc : memref<!tpu.dma_semaphore, #tpu.memory_space<semaphore_mem>>
          %dma_start3A = arith.constant 0 : i32
          %dma_start3A_35 = tpu.memref_slice %arg9[%scan3A_32, %dma_start3A] : memref<79x128xi32, #tpu.memory_space<vmem>> -> memref<1x128xi32, #tpu.memory_space<vmem>>
          %dma_start3A_36 = tpu.memref_squeeze %dma_start3A_35 : memref<1x128xi32, #tpu.memory_space<vmem>> -> memref<128xi32, #tpu.memory_space<vmem>>
          %dma_start3A_37 = arith.constant 0 : i32
          %dma_start3A_38 = arith.constant 0 : i32
          %dma_start3A_39 = tpu.memref_slice %arg2[%dma_start3A_37, %dma_start3A_38] : memref<10000x128xf32, #tpu.memory_space<hbm>> -> memref<10000x128xf32, #tpu.memory_space<hbm>>
          tpu.enqueue_indirect_dma source(%dma_start3A_39 : memref<10000x128xf32, #tpu.memory_space<hbm>>) target(%arg11 : memref<128x128xf32, #tpu.memory_space<vmem>>) offsets(%dma_start3A_36 : memref<128xi32, #tpu.memory_space<vmem>>) semaphore(%run_scoped3A : memref<!tpu.dma_semaphore, #tpu.memory_space<semaphore_mem>>)
          %dma_wait3A = arith.constant 0 : i32
          %dma_wait3A_40 = tpu.memref_slice %arg9[%scan3A_32, %dma_wait3A] : memref<79x128xi32, #tpu.memory_space<vmem>> -> memref<1x128xi32, #tpu.memory_space<vmem>>
          %dma_wait3A_41 = tpu.memref_squeeze %dma_wait3A_40 : memref<1x128xi32, #tpu.memory_space<vmem>> -> memref<128xi32, #tpu.memory_space<vmem>>
          %dma_wait3A_42 = arith.constant 0 : i32
          %dma_wait3A_43 = arith.constant 0 : i32
          %dma_wait3A_44 = tpu.memref_slice %arg2[%dma_wait3A_42, %dma_wait3A_43] : memref<10000x128xf32, #tpu.memory_space<hbm>> -> memref<10000x128xf32, #tpu.memory_space<hbm>>
          tpu.wait_indirect_dma semaphore(%run_scoped3A : memref<!tpu.dma_semaphore, #tpu.memory_space<semaphore_mem>>) src(%dma_wait3A_44 : memref<10000x128xf32, #tpu.memory_space<hbm>>) dst(%arg11 : memref<128x128xf32, #tpu.memory_space<vmem>>)
          tpu.yield
        }) : () -> ()
        "tpu.region"() ({
          %run_scoped3A = tpu.sem_alloc : memref<!tpu.dma_semaphore, #tpu.memory_space<semaphore_mem>>
          %dma_start3A = arith.constant 0 : i32
          %dma_start3A_35 = tpu.memref_slice %arg10[%scan3A_32, %dma_start3A] : memref<79x128xi32, #tpu.memory_space<vmem>> -> memref<1x128xi32, #tpu.memory_space<vmem>>
          %dma_start3A_36 = tpu.memref_squeeze %dma_start3A_35 : memref<1x128xi32, #tpu.memory_space<vmem>> -> memref<128xi32, #tpu.memory_space<vmem>>
          %dma_start3A_37 = arith.constant 0 : i32
          %dma_start3A_38 = arith.constant 0 : i32
          %dma_start3A_39 = tpu.memref_slice %arg8[%dma_start3A_37, %dma_start3A_38] : memref<10240x128xf32, #tpu.memory_space<vmem_shared>> -> memref<10240x128xf32, #tpu.memory_space<vmem_shared>>
          tpu.enqueue_indirect_dma source(%arg11 : memref<128x128xf32, #tpu.memory_space<vmem>>) target(%dma_start3A_39 : memref<10240x128xf32, #tpu.memory_space<vmem_shared>>) offsets(%dma_start3A_36 : memref<128xi32, #tpu.memory_space<vmem>>) semaphore(%run_scoped3A : memref<!tpu.dma_semaphore, #tpu.memory_space<semaphore_mem>>) {add = true}
          %dma_wait3A = arith.constant 0 : i32
          %dma_wait3A_40 = tpu.memref_slice %arg10[%scan3A_32, %dma_wait3A] : memref<79x128xi32, #tpu.memory_space<vmem>> -> memref<1x128xi32, #tpu.memory_space<vmem>>
          %dma_wait3A_41 = tpu.memref_squeeze %dma_wait3A_40 : memref<1x128xi32, #tpu.memory_space<vmem>> -> memref<128xi32, #tpu.memory_space<vmem>>
          %dma_wait3A_42 = arith.constant 0 : i32
          %dma_wait3A_43 = arith.constant 0 : i32
          %dma_wait3A_44 = tpu.memref_slice %arg8[%dma_wait3A_42, %dma_wait3A_43] : memref<10240x128xf32, #tpu.memory_space<vmem_shared>> -> memref<10240x128xf32, #tpu.memory_space<vmem_shared>>
          tpu.wait_indirect_dma semaphore(%run_scoped3A : memref<!tpu.dma_semaphore, #tpu.memory_space<semaphore_mem>>) src(%arg11 : memref<128x128xf32, #tpu.memory_space<vmem>>) dst(%dma_wait3A_44 : memref<10240x128xf32, #tpu.memory_space<vmem_shared>>)
          tpu.yield
        }) : () -> ()
        %scan3A_34 = arith.constant 0 : i32
        scf.yield %scan3A_34 : i32
      }
      %scan3A_28 = arith.constant 79 : i32
      %barrier3A_29 = arith.constant 0 : index
      tpu.barrier barrier_id(%barrier3A_29)
      %mul3A_30 = arith.constant 640 : i32
      %mul3A_31 = arith.muli %arg1, %mul3A_30 : i32
      "tpu.region"() ({
        %run_scoped3A = tpu.sem_alloc : memref<!tpu.dma_semaphore, #tpu.memory_space<semaphore_mem>>
        %dma_start3A = arith.constant 0 : i32
        %dma_start3A_32 = tpu.memref_slice %arg6[%mul3A_31, %dma_start3A] : memref<10240x128xf32, #tpu.memory_space<hbm>> -> memref<640x128xf32, #tpu.memory_space<hbm>>
        %dma_start3A_33 = arith.constant 0 : i32
        %dma_start3A_34 = tpu.memref_slice %arg8[%mul3A_31, %dma_start3A_33] : memref<10240x128xf32, #tpu.memory_space<vmem_shared>> -> memref<640x128xf32, #tpu.memory_space<vmem_shared>>
        tpu.enqueue_dma source(%dma_start3A_34 : memref<640x128xf32, #tpu.memory_space<vmem_shared>>) target(%dma_start3A_32 : memref<640x128xf32, #tpu.memory_space<hbm>>) target_semaphore(%run_scoped3A : memref<!tpu.dma_semaphore, #tpu.memory_space<semaphore_mem>>)
        %dma_wait3A = arith.constant 0 : i32
        %dma_wait3A_35 = tpu.memref_slice %arg6[%mul3A_31, %dma_wait3A] : memref<10240x128xf32, #tpu.memory_space<hbm>> -> memref<640x128xf32, #tpu.memory_space<hbm>>
        %dma_wait3A_36 = arith.constant 0 : i32
        %dma_wait3A_37 = tpu.memref_slice %arg8[%mul3A_31, %dma_wait3A_36] : memref<10240x128xf32, #tpu.memory_space<vmem_shared>> -> memref<640x128xf32, #tpu.memory_space<vmem_shared>>
        tpu.wait_dma2 semaphore(%run_scoped3A : memref<!tpu.dma_semaphore, #tpu.memory_space<semaphore_mem>>) src(%dma_wait3A_37 : memref<640x128xf32, #tpu.memory_space<vmem_shared>>) dst(%dma_wait3A_35 : memref<640x128xf32, #tpu.memory_space<hbm>>)
        tpu.yield
      }) : () -> ()
    } else {
    }
    %eq3A_17 = arith.constant 1 : i32
    %eq3A_18 = arith.cmpi eq, %arg0, %eq3A_17 : i32
    %convert_element_type3A_19 = arith.extui %eq3A_18 : i1 to i32
    %cond3A_20 = arith.constant 0 : i32
    %cond3A_21 = arith.cmpi ne, %convert_element_type3A_19, %cond3A_20 : i32
    scf.if %cond3A_21 {
      "tpu.region"() ({
        %run_scoped3A = tpu.sem_alloc : memref<!tpu.dma_semaphore, #tpu.memory_space<semaphore_mem>>
        %dma_start3A = arith.constant 0 : i32
        %dma_start3A_32 = arith.constant 0 : i32
        %dma_start3A_33 = tpu.memref_slice %arg4[%arg1, %dma_start3A, %dma_start3A_32] : memref<16x79x128xi32, #tpu.memory_space<hbm>> -> memref<1x79x128xi32, #tpu.memory_space<hbm>>
        %dma_start3A_34 = tpu.memref_squeeze %dma_start3A_33 : memref<1x79x128xi32, #tpu.memory_space<hbm>> -> memref<79x128xi32, #tpu.memory_space<hbm>>
        %dma_start3A_35 = arith.constant 0 : i32
        %dma_start3A_36 = arith.constant 0 : i32
        %dma_start3A_37 = tpu.memref_slice %arg4[%arg1, %dma_start3A_35, %dma_start3A_36] : memref<16x79x128xi32, #tpu.memory_space<hbm>> -> memref<1x79x128xi32, #tpu.memory_space<hbm>>
        %dma_start3A_38 = tpu.memref_squeeze %dma_start3A_37 : memref<1x79x128xi32, #tpu.memory_space<hbm>> -> memref<79x128xi32, #tpu.memory_space<hbm>>
        tpu.enqueue_dma source(%dma_start3A_38 : memref<79x128xi32, #tpu.memory_space<hbm>>) target(%arg9 : memref<79x128xi32, #tpu.memory_space<vmem>>) target_semaphore(%run_scoped3A : memref<!tpu.dma_semaphore, #tpu.memory_space<semaphore_mem>>)
        %dma_wait3A = arith.constant 0 : i32
        %dma_wait3A_39 = arith.constant 0 : i32
        %dma_wait3A_40 = tpu.memref_slice %arg4[%arg1, %dma_wait3A, %dma_wait3A_39] : memref<16x79x128xi32, #tpu.memory_space<hbm>> -> memref<1x79x128xi32, #tpu.memory_space<hbm>>
        %dma_wait3A_41 = tpu.memref_squeeze %dma_wait3A_40 : memref<1x79x128xi32, #tpu.memory_space<hbm>> -> memref<79x128xi32, #tpu.memory_space<hbm>>
        %dma_wait3A_42 = arith.constant 0 : i32
        %dma_wait3A_43 = arith.constant 0 : i32
        %dma_wait3A_44 = tpu.memref_slice %arg4[%arg1, %dma_wait3A_42, %dma_wait3A_43] : memref<16x79x128xi32, #tpu.memory_space<hbm>> -> memref<1x79x128xi32, #tpu.memory_space<hbm>>
        %dma_wait3A_45 = tpu.memref_squeeze %dma_wait3A_44 : memref<1x79x128xi32, #tpu.memory_space<hbm>> -> memref<79x128xi32, #tpu.memory_space<hbm>>
        tpu.wait_dma2 semaphore(%run_scoped3A : memref<!tpu.dma_semaphore, #tpu.memory_space<semaphore_mem>>) src(%dma_wait3A_45 : memref<79x128xi32, #tpu.memory_space<hbm>>) dst(%arg9 : memref<79x128xi32, #tpu.memory_space<vmem>>)
        tpu.yield
      }) : () -> ()
      "tpu.region"() ({
        %run_scoped3A = tpu.sem_alloc : memref<!tpu.dma_semaphore, #tpu.memory_space<semaphore_mem>>
        %dma_start3A = arith.constant 0 : i32
        %dma_start3A_32 = arith.constant 0 : i32
        %dma_start3A_33 = tpu.memref_slice %arg5[%arg1, %dma_start3A, %dma_start3A_32] : memref<16x79x128xi32, #tpu.memory_space<hbm>> -> memref<1x79x128xi32, #tpu.memory_space<hbm>>
        %dma_start3A_34 = tpu.memref_squeeze %dma_start3A_33 : memref<1x79x128xi32, #tpu.memory_space<hbm>> -> memref<79x128xi32, #tpu.memory_space<hbm>>
        %dma_start3A_35 = arith.constant 0 : i32
        %dma_start3A_36 = arith.constant 0 : i32
        %dma_start3A_37 = tpu.memref_slice %arg5[%arg1, %dma_start3A_35, %dma_start3A_36] : memref<16x79x128xi32, #tpu.memory_space<hbm>> -> memref<1x79x128xi32, #tpu.memory_space<hbm>>
        %dma_start3A_38 = tpu.memref_squeeze %dma_start3A_37 : memref<1x79x128xi32, #tpu.memory_space<hbm>> -> memref<79x128xi32, #tpu.memory_space<hbm>>
        tpu.enqueue_dma source(%dma_start3A_38 : memref<79x128xi32, #tpu.memory_space<hbm>>) target(%arg10 : memref<79x128xi32, #tpu.memory_space<vmem>>) target_semaphore(%run_scoped3A : memref<!tpu.dma_semaphore, #tpu.memory_space<semaphore_mem>>)
        %dma_wait3A = arith.constant 0 : i32
        %dma_wait3A_39 = arith.constant 0 : i32
        %dma_wait3A_40 = tpu.memref_slice %arg5[%arg1, %dma_wait3A, %dma_wait3A_39] : memref<16x79x128xi32, #tpu.memory_space<hbm>> -> memref<1x79x128xi32, #tpu.memory_space<hbm>>
        %dma_wait3A_41 = tpu.memref_squeeze %dma_wait3A_40 : memref<1x79x128xi32, #tpu.memory_space<hbm>> -> memref<79x128xi32, #tpu.memory_space<hbm>>
        %dma_wait3A_42 = arith.constant 0 : i32
        %dma_wait3A_43 = arith.constant 0 : i32
        %dma_wait3A_44 = tpu.memref_slice %arg5[%arg1, %dma_wait3A_42, %dma_wait3A_43] : memref<16x79x128xi32, #tpu.memory_space<hbm>> -> memref<1x79x128xi32, #tpu.memory_space<hbm>>
        %dma_wait3A_45 = tpu.memref_squeeze %dma_wait3A_44 : memref<1x79x128xi32, #tpu.memory_space<hbm>> -> memref<79x128xi32, #tpu.memory_space<hbm>>
        tpu.wait_dma2 semaphore(%run_scoped3A : memref<!tpu.dma_semaphore, #tpu.memory_space<semaphore_mem>>) src(%dma_wait3A_45 : memref<79x128xi32, #tpu.memory_space<hbm>>) dst(%arg10 : memref<79x128xi32, #tpu.memory_space<vmem>>)
        tpu.yield
      }) : () -> ()
      %barrier3A = arith.constant 0 : index
      tpu.barrier barrier_id(%barrier3A)
      %scan3A_22 = arith.constant 0 : i32
      %scan3A_23 = arith.constant 0 : i32
      %scan3A_24 = arith.constant 79 : i32
      %scan3A_25 = arith.addi %scan3A_23, %scan3A_24 : i32
      %scan3A_26 = arith.constant 1 : i32
      %scan3A_27 = scf.for %scan3A_32 = %scan3A_23 to %scan3A_25 step %scan3A_26 iter_args(%scan3A_33 = %scan3A_22) -> (i32)  : i32 {
        "tpu.region"() ({
          %run_scoped3A = tpu.sem_alloc : memref<!tpu.dma_semaphore, #tpu.memory_space<semaphore_mem>>
          %dma_start3A = arith.constant 0 : i32
          %dma_start3A_35 = tpu.memref_slice %arg9[%scan3A_32, %dma_start3A] : memref<79x128xi32, #tpu.memory_space<vmem>> -> memref<1x128xi32, #tpu.memory_space<vmem>>
          %dma_start3A_36 = tpu.memref_squeeze %dma_start3A_35 : memref<1x128xi32, #tpu.memory_space<vmem>> -> memref<128xi32, #tpu.memory_space<vmem>>
          %dma_start3A_37 = arith.constant 0 : i32
          %dma_start3A_38 = arith.constant 0 : i32
          %dma_start3A_39 = tpu.memref_slice %arg3[%dma_start3A_37, %dma_start3A_38] : memref<10000x128xf32, #tpu.memory_space<hbm>> -> memref<10000x128xf32, #tpu.memory_space<hbm>>
          tpu.enqueue_indirect_dma source(%dma_start3A_39 : memref<10000x128xf32, #tpu.memory_space<hbm>>) target(%arg11 : memref<128x128xf32, #tpu.memory_space<vmem>>) offsets(%dma_start3A_36 : memref<128xi32, #tpu.memory_space<vmem>>) semaphore(%run_scoped3A : memref<!tpu.dma_semaphore, #tpu.memory_space<semaphore_mem>>)
          %dma_wait3A = arith.constant 0 : i32
          %dma_wait3A_40 = tpu.memref_slice %arg9[%scan3A_32, %dma_wait3A] : memref<79x128xi32, #tpu.memory_space<vmem>> -> memref<1x128xi32, #tpu.memory_space<vmem>>
          %dma_wait3A_41 = tpu.memref_squeeze %dma_wait3A_40 : memref<1x128xi32, #tpu.memory_space<vmem>> -> memref<128xi32, #tpu.memory_space<vmem>>
          %dma_wait3A_42 = arith.constant 0 : i32
          %dma_wait3A_43 = arith.constant 0 : i32
          %dma_wait3A_44 = tpu.memref_slice %arg3[%dma_wait3A_42, %dma_wait3A_43] : memref<10000x128xf32, #tpu.memory_space<hbm>> -> memref<10000x128xf32, #tpu.memory_space<hbm>>
          tpu.wait_indirect_dma semaphore(%run_scoped3A : memref<!tpu.dma_semaphore, #tpu.memory_space<semaphore_mem>>) src(%dma_wait3A_44 : memref<10000x128xf32, #tpu.memory_space<hbm>>) dst(%arg11 : memref<128x128xf32, #tpu.memory_space<vmem>>)
          tpu.yield
        }) : () -> ()
        "tpu.region"() ({
          %run_scoped3A = tpu.sem_alloc : memref<!tpu.dma_semaphore, #tpu.memory_space<semaphore_mem>>
          %dma_start3A = arith.constant 0 : i32
          %dma_start3A_35 = tpu.memref_slice %arg10[%scan3A_32, %dma_start3A] : memref<79x128xi32, #tpu.memory_space<vmem>> -> memref<1x128xi32, #tpu.memory_space<vmem>>
          %dma_start3A_36 = tpu.memref_squeeze %dma_start3A_35 : memref<1x128xi32, #tpu.memory_space<vmem>> -> memref<128xi32, #tpu.memory_space<vmem>>
          %dma_start3A_37 = arith.constant 0 : i32
          %dma_start3A_38 = arith.constant 0 : i32
          %dma_start3A_39 = tpu.memref_slice %arg8[%dma_start3A_37, %dma_start3A_38] : memref<10240x128xf32, #tpu.memory_space<vmem_shared>> -> memref<10240x128xf32, #tpu.memory_space<vmem_shared>>
          tpu.enqueue_indirect_dma source(%arg11 : memref<128x128xf32, #tpu.memory_space<vmem>>) target(%dma_start3A_39 : memref<10240x128xf32, #tpu.memory_space<vmem_shared>>) offsets(%dma_start3A_36 : memref<128xi32, #tpu.memory_space<vmem>>) semaphore(%run_scoped3A : memref<!tpu.dma_semaphore, #tpu.memory_space<semaphore_mem>>) {add = true}
          %dma_wait3A = arith.constant 0 : i32
          %dma_wait3A_40 = tpu.memref_slice %arg10[%scan3A_32, %dma_wait3A] : memref<79x128xi32, #tpu.memory_space<vmem>> -> memref<1x128xi32, #tpu.memory_space<vmem>>
          %dma_wait3A_41 = tpu.memref_squeeze %dma_wait3A_40 : memref<1x128xi32, #tpu.memory_space<vmem>> -> memref<128xi32, #tpu.memory_space<vmem>>
          %dma_wait3A_42 = arith.constant 0 : i32
          %dma_wait3A_43 = arith.constant 0 : i32
          %dma_wait3A_44 = tpu.memref_slice %arg8[%dma_wait3A_42, %dma_wait3A_43] : memref<10240x128xf32, #tpu.memory_space<vmem_shared>> -> memref<10240x128xf32, #tpu.memory_space<vmem_shared>>
          tpu.wait_indirect_dma semaphore(%run_scoped3A : memref<!tpu.dma_semaphore, #tpu.memory_space<semaphore_mem>>) src(%arg11 : memref<128x128xf32, #tpu.memory_space<vmem>>) dst(%dma_wait3A_44 : memref<10240x128xf32, #tpu.memory_space<vmem_shared>>)
          tpu.yield
        }) : () -> ()
        %scan3A_34 = arith.constant 0 : i32
        scf.yield %scan3A_34 : i32
      }
      %scan3A_28 = arith.constant 79 : i32
      %barrier3A_29 = arith.constant 0 : index
      tpu.barrier barrier_id(%barrier3A_29)
      %mul3A_30 = arith.constant 640 : i32
      %mul3A_31 = arith.muli %arg1, %mul3A_30 : i32
      "tpu.region"() ({
        %run_scoped3A = tpu.sem_alloc : memref<!tpu.dma_semaphore, #tpu.memory_space<semaphore_mem>>
        %dma_start3A = arith.constant 0 : i32
        %dma_start3A_32 = tpu.memref_slice %arg7[%mul3A_31, %dma_start3A] : memref<10240x128xf32, #tpu.memory_space<hbm>> -> memref<640x128xf32, #tpu.memory_space<hbm>>
        %dma_start3A_33 = arith.constant 0 : i32
        %dma_start3A_34 = tpu.memref_slice %arg8[%mul3A_31, %dma_start3A_33] : memref<10240x128xf32, #tpu.memory_space<vmem_shared>> -> memref<640x128xf32, #tpu.memory_space<vmem_shared>>
        tpu.enqueue_dma source(%dma_start3A_34 : memref<640x128xf32, #tpu.memory_space<vmem_shared>>) target(%dma_start3A_32 : memref<640x128xf32, #tpu.memory_space<hbm>>) target_semaphore(%run_scoped3A : memref<!tpu.dma_semaphore, #tpu.memory_space<semaphore_mem>>)
        %dma_wait3A = arith.constant 0 : i32
        %dma_wait3A_35 = tpu.memref_slice %arg7[%mul3A_31, %dma_wait3A] : memref<10240x128xf32, #tpu.memory_space<hbm>> -> memref<640x128xf32, #tpu.memory_space<hbm>>
        %dma_wait3A_36 = arith.constant 0 : i32
        %dma_wait3A_37 = tpu.memref_slice %arg8[%mul3A_31, %dma_wait3A_36] : memref<10240x128xf32, #tpu.memory_space<vmem_shared>> -> memref<640x128xf32, #tpu.memory_space<vmem_shared>>
        tpu.wait_dma2 semaphore(%run_scoped3A : memref<!tpu.dma_semaphore, #tpu.memory_space<semaphore_mem>>) src(%dma_wait3A_37 : memref<640x128xf32, #tpu.memory_space<vmem_shared>>) dst(%dma_wait3A_35 : memref<640x128xf32, #tpu.memory_space<hbm>>)
        tpu.yield
      }) : () -> ()
    } else {
    }
    return
  }
}

#map = affine_map<(d0, d1) -> (0, 0, 0)>
#map1 = affine_map<(d0, d1) -> (0)>
module attributes {stable_mosaic.version = 14 : i64} {
  func.func @_deg_kernel(%arg0: i32, %arg1: i32, %arg2: memref<16x79x128xi32, #tpu.memory_space<hbm>>, %arg3: memref<16x79x128xi32, #tpu.memory_space<hbm>>, %arg4: memref<10240xf32, #tpu.memory_space<hbm>>, %arg5: memref<10240xf32, #tpu.memory_space<hbm>>, %arg6: memref<10240xf32, #tpu.memory_space<vmem_shared>>, %arg7: memref<79x128xi32, #tpu.memory_space<vmem>>, %arg8: memref<128xf32, #tpu.memory_space<vmem>>, %arg9: memref<640xf32, #tpu.memory_space<vmem>>) attributes {dimension_semantics = [#tpu.dimension_semantics<core_parallel>, #tpu.dimension_semantics<subcore_parallel>], iteration_bounds = array<i64: 2, 16>, scalar_prefetch = 0 : i64, scratch_operands = 4 : i64, tpu.core_type = #tpu.core_type<sc_vector_subcore>, window_params = [{transform_indices = #map}, {transform_indices = #map}, {transform_indices = #map1}, {transform_indices = #map1}]} {
    %broadcast_in_dim3A = arith.constant 1.000000e+00 : f32
    %broadcast_in_dim3A_0 = vector.broadcast %broadcast_in_dim3A : f32 to vector<16xf32>
    %scan3A = arith.constant 0 : i32
    %scan3A_1 = arith.constant 0 : i32
    %scan3A_2 = arith.constant 8 : i32
    %scan3A_3 = arith.addi %scan3A_1, %scan3A_2 : i32
    %scan3A_4 = arith.constant 1 : i32
    %scan3A_5 = scf.for %scan3A_24 = %scan3A_1 to %scan3A_3 step %scan3A_4 iter_args(%scan3A_25 = %scan3A) -> (i32)  : i32 {
      %mul3A_26 = arith.constant 16 : i32
      %mul3A_27 = arith.muli %scan3A_24, %mul3A_26 : i32
      %swap3A = arith.index_cast %mul3A_27 : i32 to index
      %swap3A_28 = tpu.vector_load %arg8[%swap3A] {strides = array<i32>} : memref<128xf32, #tpu.memory_space<vmem>>, vector<16xf32>,
      %swap3A_29 = vector.shape_cast %swap3A_28 : vector<16xf32> to vector<16xf32>
      %swap3A_30 = vector.shape_cast %broadcast_in_dim3A_0 : vector<16xf32> to vector<16xf32>
      tpu.vector_store %arg8[%swap3A], %swap3A_30 {strides = array<i32>} : memref<128xf32, #tpu.memory_space<vmem>>, vector<16xf32>,
      %scan3A_31 = arith.constant 0 : i32
      scf.yield %scan3A_31 : i32
    }
    %scan3A_6 = arith.constant 8 : i32
    %broadcast_in_dim3A_7 = arith.constant 0.000000e+00 : f32
    %broadcast_in_dim3A_8 = vector.broadcast %broadcast_in_dim3A_7 : f32 to vector<16xf32>
    %scan3A_9 = arith.constant 0 : i32
    %scan3A_10 = arith.constant 0 : i32
    %scan3A_11 = arith.constant 40 : i32
    %scan3A_12 = arith.addi %scan3A_10, %scan3A_11 : i32
    %scan3A_13 = arith.constant 1 : i32
    %scan3A_14 = scf.for %scan3A_24 = %scan3A_10 to %scan3A_12 step %scan3A_13 iter_args(%scan3A_25 = %scan3A_9) -> (i32)  : i32 {
      %mul3A_26 = arith.constant 16 : i32
      %mul3A_27 = arith.muli %scan3A_24, %mul3A_26 : i32
      %swap3A = arith.index_cast %mul3A_27 : i32 to index
      %swap3A_28 = tpu.vector_load %arg9[%swap3A] {strides = array<i32>} : memref<640xf32, #tpu.memory_space<vmem>>, vector<16xf32>,
      %swap3A_29 = vector.shape_cast %swap3A_28 : vector<16xf32> to vector<16xf32>
      %swap3A_30 = vector.shape_cast %broadcast_in_dim3A_8 : vector<16xf32> to vector<16xf32>
      tpu.vector_store %arg9[%swap3A], %swap3A_30 {strides = array<i32>} : memref<640xf32, #tpu.memory_space<vmem>>, vector<16xf32>,
      %scan3A_31 = arith.constant 0 : i32
      scf.yield %scan3A_31 : i32
    }
    %scan3A_15 = arith.constant 40 : i32
    %mul3A = arith.constant 640 : i32
    %mul3A_16 = arith.muli %arg1, %mul3A : i32
    "tpu.region"() ({
      %run_scoped3A = tpu.sem_alloc : memref<!tpu.dma_semaphore, #tpu.memory_space<semaphore_mem>>
      %dma_start3A = tpu.memref_slice %arg6[%mul3A_16] : memref<10240xf32, #tpu.memory_space<vmem_shared>> -> memref<640xf32, #tpu.memory_space<vmem_shared>>
      %dma_start3A_24 = tpu.memref_slice %arg6[%mul3A_16] : memref<10240xf32, #tpu.memory_space<vmem_shared>> -> memref<640xf32, #tpu.memory_space<vmem_shared>>
      tpu.enqueue_dma source(%arg9 : memref<640xf32, #tpu.memory_space<vmem>>) target(%dma_start3A_24 : memref<640xf32, #tpu.memory_space<vmem_shared>>) target_semaphore(%run_scoped3A : memref<!tpu.dma_semaphore, #tpu.memory_space<semaphore_mem>>)
      %dma_wait3A = tpu.memref_slice %arg6[%mul3A_16] : memref<10240xf32, #tpu.memory_space<vmem_shared>> -> memref<640xf32, #tpu.memory_space<vmem_shared>>
      %dma_wait3A_25 = tpu.memref_slice %arg6[%mul3A_16] : memref<10240xf32, #tpu.memory_space<vmem_shared>> -> memref<640xf32, #tpu.memory_space<vmem_shared>>
      tpu.wait_dma2 semaphore(%run_scoped3A : memref<!tpu.dma_semaphore, #tpu.memory_space<semaphore_mem>>) src(%arg9 : memref<640xf32, #tpu.memory_space<vmem>>) dst(%dma_wait3A_25 : memref<640xf32, #tpu.memory_space<vmem_shared>>)
      tpu.yield
    }) : () -> ()
    %eq3A = arith.constant 0 : i32
    %eq3A_17 = arith.cmpi eq, %arg0, %eq3A : i32
    %convert_element_type3A = arith.extui %eq3A_17 : i1 to i32
    %cond3A = arith.constant 0 : i32
    %cond3A_18 = arith.cmpi ne, %convert_element_type3A, %cond3A : i32
    scf.if %cond3A_18 {
      "tpu.region"() ({
        %run_scoped3A = tpu.sem_alloc : memref<!tpu.dma_semaphore, #tpu.memory_space<semaphore_mem>>
        %dma_start3A = arith.constant 0 : i32
        %dma_start3A_34 = arith.constant 0 : i32
        %dma_start3A_35 = tpu.memref_slice %arg2[%arg1, %dma_start3A, %dma_start3A_34] : memref<16x79x128xi32, #tpu.memory_space<hbm>> -> memref<1x79x128xi32, #tpu.memory_space<hbm>>
        %dma_start3A_36 = tpu.memref_squeeze %dma_start3A_35 : memref<1x79x128xi32, #tpu.memory_space<hbm>> -> memref<79x128xi32, #tpu.memory_space<hbm>>
        %dma_start3A_37 = arith.constant 0 : i32
        %dma_start3A_38 = arith.constant 0 : i32
        %dma_start3A_39 = tpu.memref_slice %arg2[%arg1, %dma_start3A_37, %dma_start3A_38] : memref<16x79x128xi32, #tpu.memory_space<hbm>> -> memref<1x79x128xi32, #tpu.memory_space<hbm>>
        %dma_start3A_40 = tpu.memref_squeeze %dma_start3A_39 : memref<1x79x128xi32, #tpu.memory_space<hbm>> -> memref<79x128xi32, #tpu.memory_space<hbm>>
        tpu.enqueue_dma source(%dma_start3A_40 : memref<79x128xi32, #tpu.memory_space<hbm>>) target(%arg7 : memref<79x128xi32, #tpu.memory_space<vmem>>) target_semaphore(%run_scoped3A : memref<!tpu.dma_semaphore, #tpu.memory_space<semaphore_mem>>)
        %dma_wait3A = arith.constant 0 : i32
        %dma_wait3A_41 = arith.constant 0 : i32
        %dma_wait3A_42 = tpu.memref_slice %arg2[%arg1, %dma_wait3A, %dma_wait3A_41] : memref<16x79x128xi32, #tpu.memory_space<hbm>> -> memref<1x79x128xi32, #tpu.memory_space<hbm>>
        %dma_wait3A_43 = tpu.memref_squeeze %dma_wait3A_42 : memref<1x79x128xi32, #tpu.memory_space<hbm>> -> memref<79x128xi32, #tpu.memory_space<hbm>>
        %dma_wait3A_44 = arith.constant 0 : i32
        %dma_wait3A_45 = arith.constant 0 : i32
        %dma_wait3A_46 = tpu.memref_slice %arg2[%arg1, %dma_wait3A_44, %dma_wait3A_45] : memref<16x79x128xi32, #tpu.memory_space<hbm>> -> memref<1x79x128xi32, #tpu.memory_space<hbm>>
        %dma_wait3A_47 = tpu.memref_squeeze %dma_wait3A_46 : memref<1x79x128xi32, #tpu.memory_space<hbm>> -> memref<79x128xi32, #tpu.memory_space<hbm>>
        tpu.wait_dma2 semaphore(%run_scoped3A : memref<!tpu.dma_semaphore, #tpu.memory_space<semaphore_mem>>) src(%dma_wait3A_47 : memref<79x128xi32, #tpu.memory_space<hbm>>) dst(%arg7 : memref<79x128xi32, #tpu.memory_space<vmem>>)
        tpu.yield
      }) : () -> ()
      %barrier3A = arith.constant 0 : index
      tpu.barrier barrier_id(%barrier3A)
      %scan3A_24 = arith.constant 0 : i32
      %scan3A_25 = arith.constant 0 : i32
      %scan3A_26 = arith.constant 79 : i32
      %scan3A_27 = arith.addi %scan3A_25, %scan3A_26 : i32
      %scan3A_28 = arith.constant 1 : i32
      %scan3A_29 = scf.for %scan3A_34 = %scan3A_25 to %scan3A_27 step %scan3A_28 iter_args(%scan3A_35 = %scan3A_24) -> (i32)  : i32 {
        "tpu.region"() ({
          %run_scoped3A = tpu.sem_alloc : memref<!tpu.dma_semaphore, #tpu.memory_space<semaphore_mem>>
          %dma_start3A = arith.constant 0 : i32
          %dma_start3A_37 = tpu.memref_slice %arg7[%scan3A_34, %dma_start3A] : memref<79x128xi32, #tpu.memory_space<vmem>> -> memref<1x128xi32, #tpu.memory_space<vmem>>
          %dma_start3A_38 = tpu.memref_squeeze %dma_start3A_37 : memref<1x128xi32, #tpu.memory_space<vmem>> -> memref<128xi32, #tpu.memory_space<vmem>>
          %dma_start3A_39 = arith.constant 0 : i32
          %dma_start3A_40 = tpu.memref_slice %arg6[%dma_start3A_39] : memref<10240xf32, #tpu.memory_space<vmem_shared>> -> memref<10240xf32, #tpu.memory_space<vmem_shared>>
          tpu.enqueue_indirect_dma source(%arg8 : memref<128xf32, #tpu.memory_space<vmem>>) target(%dma_start3A_40 : memref<10240xf32, #tpu.memory_space<vmem_shared>>) offsets(%dma_start3A_38 : memref<128xi32, #tpu.memory_space<vmem>>) semaphore(%run_scoped3A : memref<!tpu.dma_semaphore, #tpu.memory_space<semaphore_mem>>) {add = true}
          %dma_wait3A = arith.constant 0 : i32
          %dma_wait3A_41 = tpu.memref_slice %arg7[%scan3A_34, %dma_wait3A] : memref<79x128xi32, #tpu.memory_space<vmem>> -> memref<1x128xi32, #tpu.memory_space<vmem>>
          %dma_wait3A_42 = tpu.memref_squeeze %dma_wait3A_41 : memref<1x128xi32, #tpu.memory_space<vmem>> -> memref<128xi32, #tpu.memory_space<vmem>>
          %dma_wait3A_43 = arith.constant 0 : i32
          %dma_wait3A_44 = tpu.memref_slice %arg6[%dma_wait3A_43] : memref<10240xf32, #tpu.memory_space<vmem_shared>> -> memref<10240xf32, #tpu.memory_space<vmem_shared>>
          tpu.wait_indirect_dma semaphore(%run_scoped3A : memref<!tpu.dma_semaphore, #tpu.memory_space<semaphore_mem>>) src(%arg8 : memref<128xf32, #tpu.memory_space<vmem>>) dst(%dma_wait3A_44 : memref<10240xf32, #tpu.memory_space<vmem_shared>>)
          tpu.yield
        }) : () -> ()
        %scan3A_36 = arith.constant 0 : i32
        scf.yield %scan3A_36 : i32
      }
      %scan3A_30 = arith.constant 79 : i32
      %barrier3A_31 = arith.constant 0 : index
      tpu.barrier barrier_id(%barrier3A_31)
      %mul3A_32 = arith.constant 640 : i32
      %mul3A_33 = arith.muli %arg1, %mul3A_32 : i32
      "tpu.region"() ({
        %run_scoped3A = tpu.sem_alloc : memref<!tpu.dma_semaphore, #tpu.memory_space<semaphore_mem>>
        %dma_start3A = tpu.memref_slice %arg4[%mul3A_33] : memref<10240xf32, #tpu.memory_space<hbm>> -> memref<640xf32, #tpu.memory_space<hbm>>
        %dma_start3A_34 = tpu.memref_slice %arg6[%mul3A_33] : memref<10240xf32, #tpu.memory_space<vmem_shared>> -> memref<640xf32, #tpu.memory_space<vmem_shared>>
        tpu.enqueue_dma source(%dma_start3A_34 : memref<640xf32, #tpu.memory_space<vmem_shared>>) target(%dma_start3A : memref<640xf32, #tpu.memory_space<hbm>>) target_semaphore(%run_scoped3A : memref<!tpu.dma_semaphore, #tpu.memory_space<semaphore_mem>>)
        %dma_wait3A = tpu.memref_slice %arg4[%mul3A_33] : memref<10240xf32, #tpu.memory_space<hbm>> -> memref<640xf32, #tpu.memory_space<hbm>>
        %dma_wait3A_35 = tpu.memref_slice %arg6[%mul3A_33] : memref<10240xf32, #tpu.memory_space<vmem_shared>> -> memref<640xf32, #tpu.memory_space<vmem_shared>>
        tpu.wait_dma2 semaphore(%run_scoped3A : memref<!tpu.dma_semaphore, #tpu.memory_space<semaphore_mem>>) src(%dma_wait3A_35 : memref<640xf32, #tpu.memory_space<vmem_shared>>) dst(%dma_wait3A : memref<640xf32, #tpu.memory_space<hbm>>)
        tpu.yield
      }) : () -> ()
    } else {
    }
    %eq3A_19 = arith.constant 1 : i32
    %eq3A_20 = arith.cmpi eq, %arg0, %eq3A_19 : i32
    %convert_element_type3A_21 = arith.extui %eq3A_20 : i1 to i32
    %cond3A_22 = arith.constant 0 : i32
    %cond3A_23 = arith.cmpi ne, %convert_element_type3A_21, %cond3A_22 : i32
    scf.if %cond3A_23 {
      "tpu.region"() ({
        %run_scoped3A = tpu.sem_alloc : memref<!tpu.dma_semaphore, #tpu.memory_space<semaphore_mem>>
        %dma_start3A = arith.constant 0 : i32
        %dma_start3A_34 = arith.constant 0 : i32
        %dma_start3A_35 = tpu.memref_slice %arg3[%arg1, %dma_start3A, %dma_start3A_34] : memref<16x79x128xi32, #tpu.memory_space<hbm>> -> memref<1x79x128xi32, #tpu.memory_space<hbm>>
        %dma_start3A_36 = tpu.memref_squeeze %dma_start3A_35 : memref<1x79x128xi32, #tpu.memory_space<hbm>> -> memref<79x128xi32, #tpu.memory_space<hbm>>
        %dma_start3A_37 = arith.constant 0 : i32
        %dma_start3A_38 = arith.constant 0 : i32
        %dma_start3A_39 = tpu.memref_slice %arg3[%arg1, %dma_start3A_37, %dma_start3A_38] : memref<16x79x128xi32, #tpu.memory_space<hbm>> -> memref<1x79x128xi32, #tpu.memory_space<hbm>>
        %dma_start3A_40 = tpu.memref_squeeze %dma_start3A_39 : memref<1x79x128xi32, #tpu.memory_space<hbm>> -> memref<79x128xi32, #tpu.memory_space<hbm>>
        tpu.enqueue_dma source(%dma_start3A_40 : memref<79x128xi32, #tpu.memory_space<hbm>>) target(%arg7 : memref<79x128xi32, #tpu.memory_space<vmem>>) target_semaphore(%run_scoped3A : memref<!tpu.dma_semaphore, #tpu.memory_space<semaphore_mem>>)
        %dma_wait3A = arith.constant 0 : i32
        %dma_wait3A_41 = arith.constant 0 : i32
        %dma_wait3A_42 = tpu.memref_slice %arg3[%arg1, %dma_wait3A, %dma_wait3A_41] : memref<16x79x128xi32, #tpu.memory_space<hbm>> -> memref<1x79x128xi32, #tpu.memory_space<hbm>>
        %dma_wait3A_43 = tpu.memref_squeeze %dma_wait3A_42 : memref<1x79x128xi32, #tpu.memory_space<hbm>> -> memref<79x128xi32, #tpu.memory_space<hbm>>
        %dma_wait3A_44 = arith.constant 0 : i32
        %dma_wait3A_45 = arith.constant 0 : i32
        %dma_wait3A_46 = tpu.memref_slice %arg3[%arg1, %dma_wait3A_44, %dma_wait3A_45] : memref<16x79x128xi32, #tpu.memory_space<hbm>> -> memref<1x79x128xi32, #tpu.memory_space<hbm>>
        %dma_wait3A_47 = tpu.memref_squeeze %dma_wait3A_46 : memref<1x79x128xi32, #tpu.memory_space<hbm>> -> memref<79x128xi32, #tpu.memory_space<hbm>>
        tpu.wait_dma2 semaphore(%run_scoped3A : memref<!tpu.dma_semaphore, #tpu.memory_space<semaphore_mem>>) src(%dma_wait3A_47 : memref<79x128xi32, #tpu.memory_space<hbm>>) dst(%arg7 : memref<79x128xi32, #tpu.memory_space<vmem>>)
        tpu.yield
      }) : () -> ()
      %barrier3A = arith.constant 0 : index
      tpu.barrier barrier_id(%barrier3A)
      %scan3A_24 = arith.constant 0 : i32
      %scan3A_25 = arith.constant 0 : i32
      %scan3A_26 = arith.constant 79 : i32
      %scan3A_27 = arith.addi %scan3A_25, %scan3A_26 : i32
      %scan3A_28 = arith.constant 1 : i32
      %scan3A_29 = scf.for %scan3A_34 = %scan3A_25 to %scan3A_27 step %scan3A_28 iter_args(%scan3A_35 = %scan3A_24) -> (i32)  : i32 {
        "tpu.region"() ({
          %run_scoped3A = tpu.sem_alloc : memref<!tpu.dma_semaphore, #tpu.memory_space<semaphore_mem>>
          %dma_start3A = arith.constant 0 : i32
          %dma_start3A_37 = tpu.memref_slice %arg7[%scan3A_34, %dma_start3A] : memref<79x128xi32, #tpu.memory_space<vmem>> -> memref<1x128xi32, #tpu.memory_space<vmem>>
          %dma_start3A_38 = tpu.memref_squeeze %dma_start3A_37 : memref<1x128xi32, #tpu.memory_space<vmem>> -> memref<128xi32, #tpu.memory_space<vmem>>
          %dma_start3A_39 = arith.constant 0 : i32
          %dma_start3A_40 = tpu.memref_slice %arg6[%dma_start3A_39] : memref<10240xf32, #tpu.memory_space<vmem_shared>> -> memref<10240xf32, #tpu.memory_space<vmem_shared>>
          tpu.enqueue_indirect_dma source(%arg8 : memref<128xf32, #tpu.memory_space<vmem>>) target(%dma_start3A_40 : memref<10240xf32, #tpu.memory_space<vmem_shared>>) offsets(%dma_start3A_38 : memref<128xi32, #tpu.memory_space<vmem>>) semaphore(%run_scoped3A : memref<!tpu.dma_semaphore, #tpu.memory_space<semaphore_mem>>) {add = true}
          %dma_wait3A = arith.constant 0 : i32
          %dma_wait3A_41 = tpu.memref_slice %arg7[%scan3A_34, %dma_wait3A] : memref<79x128xi32, #tpu.memory_space<vmem>> -> memref<1x128xi32, #tpu.memory_space<vmem>>
          %dma_wait3A_42 = tpu.memref_squeeze %dma_wait3A_41 : memref<1x128xi32, #tpu.memory_space<vmem>> -> memref<128xi32, #tpu.memory_space<vmem>>
          %dma_wait3A_43 = arith.constant 0 : i32
          %dma_wait3A_44 = tpu.memref_slice %arg6[%dma_wait3A_43] : memref<10240xf32, #tpu.memory_space<vmem_shared>> -> memref<10240xf32, #tpu.memory_space<vmem_shared>>
          tpu.wait_indirect_dma semaphore(%run_scoped3A : memref<!tpu.dma_semaphore, #tpu.memory_space<semaphore_mem>>) src(%arg8 : memref<128xf32, #tpu.memory_space<vmem>>) dst(%dma_wait3A_44 : memref<10240xf32, #tpu.memory_space<vmem_shared>>)
          tpu.yield
        }) : () -> ()
        %scan3A_36 = arith.constant 0 : i32
        scf.yield %scan3A_36 : i32
      }
      %scan3A_30 = arith.constant 79 : i32
      %barrier3A_31 = arith.constant 0 : index
      tpu.barrier barrier_id(%barrier3A_31)
      %mul3A_32 = arith.constant 640 : i32
      %mul3A_33 = arith.muli %arg1, %mul3A_32 : i32
      "tpu.region"() ({
        %run_scoped3A = tpu.sem_alloc : memref<!tpu.dma_semaphore, #tpu.memory_space<semaphore_mem>>
        %dma_start3A = tpu.memref_slice %arg5[%mul3A_33] : memref<10240xf32, #tpu.memory_space<hbm>> -> memref<640xf32, #tpu.memory_space<hbm>>
        %dma_start3A_34 = tpu.memref_slice %arg6[%mul3A_33] : memref<10240xf32, #tpu.memory_space<vmem_shared>> -> memref<640xf32, #tpu.memory_space<vmem_shared>>
        tpu.enqueue_dma source(%dma_start3A_34 : memref<640xf32, #tpu.memory_space<vmem_shared>>) target(%dma_start3A : memref<640xf32, #tpu.memory_space<hbm>>) target_semaphore(%run_scoped3A : memref<!tpu.dma_semaphore, #tpu.memory_space<semaphore_mem>>)
        %dma_wait3A = tpu.memref_slice %arg5[%mul3A_33] : memref<10240xf32, #tpu.memory_space<hbm>> -> memref<640xf32, #tpu.memory_space<hbm>>
        %dma_wait3A_35 = tpu.memref_slice %arg6[%mul3A_33] : memref<10240xf32, #tpu.memory_space<vmem_shared>> -> memref<640xf32, #tpu.memory_space<vmem_shared>>
        tpu.wait_dma2 semaphore(%run_scoped3A : memref<!tpu.dma_semaphore, #tpu.memory_space<semaphore_mem>>) src(%dma_wait3A_35 : memref<640xf32, #tpu.memory_space<vmem_shared>>) dst(%dma_wait3A : memref<640xf32, #tpu.memory_space<hbm>>)
        tpu.yield
      }) : () -> ()
    } else {
    }
    return
  }
}

#map = affine_map<(d0, d1) -> (0, 0)>
#map1 = affine_map<(d0, d1) -> (0, 0, 0)>
module attributes {stable_mosaic.version = 14 : i64} {
  func.func @_spmm_kernel(%arg0: i32, %arg1: i32, %arg2: memref<10000x128xf32, #tpu.memory_space<hbm>>, %arg3: memref<10000x128xf32, #tpu.memory_space<hbm>>, %arg4: memref<16x79x128xi32, #tpu.memory_space<hbm>>, %arg5: memref<16x79x128xi32, #tpu.memory_space<hbm>>, %arg6: memref<10240x128xf32, #tpu.memory_space<hbm>>, %arg7: memref<10240x128xf32, #tpu.memory_space<hbm>>, %arg8: memref<10240x128xf32, #tpu.memory_space<vmem_shared>>, %arg9: memref<79x128xi32, #tpu.memory_space<vmem>>, %arg10: memref<79x128xi32, #tpu.memory_space<vmem>>, %arg11: memref<128x128xf32, #tpu.memory_space<vmem>>) attributes {dimension_semantics = [#tpu.dimension_semantics<core_parallel>, #tpu.dimension_semantics<subcore_parallel>], iteration_bounds = array<i64: 2, 16>, scalar_prefetch = 0 : i64, scratch_operands = 4 : i64, tpu.core_type = #tpu.core_type<sc_vector_subcore>, window_params = [{transform_indices = #map}, {transform_indices = #map}, {transform_indices = #map1}, {transform_indices = #map1}, {transform_indices = #map}, {transform_indices = #map}]} {
    %broadcast_in_dim3A = arith.constant 0.000000e+00 : f32
    %broadcast_in_dim3A_0 = vector.broadcast %broadcast_in_dim3A : f32 to vector<16xf32>
    %scan3A = arith.constant 0 : i32
    %scan3A_1 = arith.constant 0 : i32
    %scan3A_2 = arith.constant 128 : i32
    %scan3A_3 = arith.addi %scan3A_1, %scan3A_2 : i32
    %scan3A_4 = arith.constant 1 : i32
    %scan3A_5 = scf.for %scan3A_22 = %scan3A_1 to %scan3A_3 step %scan3A_4 iter_args(%scan3A_23 = %scan3A) -> (i32)  : i32 {
      %scan3A_24 = arith.constant 0 : i32
      %scan3A_25 = arith.constant 0 : i32
      %scan3A_26 = arith.constant 8 : i32
      %scan3A_27 = arith.addi %scan3A_25, %scan3A_26 : i32
      %scan3A_28 = arith.constant 1 : i32
      %scan3A_29 = scf.for %scan3A_31 = %scan3A_25 to %scan3A_27 step %scan3A_28 iter_args(%scan3A_32 = %scan3A_24) -> (i32)  : i32 {
        %mul3A_33 = arith.constant 16 : i32
        %mul3A_34 = arith.muli %scan3A_31, %mul3A_33 : i32
        %swap3A = arith.index_cast %scan3A_22 : i32 to index
        %swap3A_35 = arith.index_cast %mul3A_34 : i32 to index
        %swap3A_36 = tpu.vector_load %arg11[%swap3A, %swap3A_35] {strides = array<i32>} : memref<128x128xf32, #tpu.memory_space<vmem>>, vector<1x16xf32>,
        %swap3A_37 = vector.shape_cast %swap3A_36 : vector<1x16xf32> to vector<16xf32>
        %swap3A_38 = vector.shape_cast %broadcast_in_dim3A_0 : vector<16xf32> to vector<1x16xf32>
        tpu.vector_store %arg11[%swap3A, %swap3A_35], %swap3A_38 {strides = array<i32>} : memref<128x128xf32, #tpu.memory_space<vmem>>, vector<1x16xf32>,
        %scan3A_39 = arith.constant 0 : i32
        scf.yield %scan3A_39 : i32
      }
      %scan3A_30 = arith.constant 8 : i32
      scf.yield %scan3A_29 : i32
    }
    %scan3A_6 = arith.constant 128 : i32
    %mul3A = arith.constant 640 : i32
    %mul3A_7 = arith.muli %arg1, %mul3A : i32
    %scan3A_8 = arith.constant 0 : i32
    %scan3A_9 = arith.constant 0 : i32
    %scan3A_10 = arith.constant 5 : i32
    %scan3A_11 = arith.addi %scan3A_9, %scan3A_10 : i32
    %scan3A_12 = arith.constant 1 : i32
    %scan3A_13 = scf.for %scan3A_22 = %scan3A_9 to %scan3A_11 step %scan3A_12 iter_args(%scan3A_23 = %scan3A_8) -> (i32)  : i32 {
      %mul3A_24 = arith.constant 128 : i32
      %mul3A_25 = arith.muli %scan3A_22, %mul3A_24 : i32
      %add3A = arith.addi %mul3A_7, %mul3A_25 : i32
      "tpu.region"() ({
        %run_scoped3A = tpu.sem_alloc : memref<!tpu.dma_semaphore, #tpu.memory_space<semaphore_mem>>
        %dma_start3A = arith.constant 0 : i32
        %dma_start3A_27 = arith.constant 0 : i32
        %dma_start3A_28 = tpu.memref_slice %arg11[%dma_start3A, %dma_start3A_27] : memref<128x128xf32, #tpu.memory_space<vmem>> -> memref<128x128xf32, #tpu.memory_space<vmem>>
        %dma_start3A_29 = arith.constant 0 : i32
        %dma_start3A_30 = tpu.memref_slice %arg8[%add3A, %dma_start3A_29] : memref<10240x128xf32, #tpu.memory_space<vmem_shared>> -> memref<128x128xf32, #tpu.memory_space<vmem_shared>>
        %dma_start3A_31 = arith.constant 0 : i32
        %dma_start3A_32 = tpu.memref_slice %arg8[%add3A, %dma_start3A_31] : memref<10240x128xf32, #tpu.memory_space<vmem_shared>> -> memref<128x128xf32, #tpu.memory_space<vmem_shared>>
        %dma_start3A_33 = arith.constant 0 : i32
        %dma_start3A_34 = arith.constant 0 : i32
        %dma_start3A_35 = tpu.memref_slice %arg11[%dma_start3A_33, %dma_start3A_34] : memref<128x128xf32, #tpu.memory_space<vmem>> -> memref<128x128xf32, #tpu.memory_space<vmem>>
        tpu.enqueue_dma source(%dma_start3A_35 : memref<128x128xf32, #tpu.memory_space<vmem>>) target(%dma_start3A_32 : memref<128x128xf32, #tpu.memory_space<vmem_shared>>) target_semaphore(%run_scoped3A : memref<!tpu.dma_semaphore, #tpu.memory_space<semaphore_mem>>)
        %dma_wait3A = arith.constant 0 : i32
        %dma_wait3A_36 = arith.constant 0 : i32
        %dma_wait3A_37 = tpu.memref_slice %arg11[%dma_wait3A, %dma_wait3A_36] : memref<128x128xf32, #tpu.memory_space<vmem>> -> memref<128x128xf32, #tpu.memory_space<vmem>>
        %dma_wait3A_38 = arith.constant 0 : i32
        %dma_wait3A_39 = tpu.memref_slice %arg8[%add3A, %dma_wait3A_38] : memref<10240x128xf32, #tpu.memory_space<vmem_shared>> -> memref<128x128xf32, #tpu.memory_space<vmem_shared>>
        %dma_wait3A_40 = arith.constant 0 : i32
        %dma_wait3A_41 = tpu.memref_slice %arg8[%add3A, %dma_wait3A_40] : memref<10240x128xf32, #tpu.memory_space<vmem_shared>> -> memref<128x128xf32, #tpu.memory_space<vmem_shared>>
        %dma_wait3A_42 = arith.constant 0 : i32
        %dma_wait3A_43 = arith.constant 0 : i32
        %dma_wait3A_44 = tpu.memref_slice %arg11[%dma_wait3A_42, %dma_wait3A_43] : memref<128x128xf32, #tpu.memory_space<vmem>> -> memref<128x128xf32, #tpu.memory_space<vmem>>
        tpu.wait_dma2 semaphore(%run_scoped3A : memref<!tpu.dma_semaphore, #tpu.memory_space<semaphore_mem>>) src(%dma_wait3A_44 : memref<128x128xf32, #tpu.memory_space<vmem>>) dst(%dma_wait3A_41 : memref<128x128xf32, #tpu.memory_space<vmem_shared>>)
        tpu.yield
      }) : () -> ()
      %scan3A_26 = arith.constant 0 : i32
      scf.yield %scan3A_26 : i32
    }
    %scan3A_14 = arith.constant 5 : i32
    %eq3A = arith.constant 0 : i32
    %eq3A_15 = arith.cmpi eq, %arg0, %eq3A : i32
    %convert_element_type3A = arith.extui %eq3A_15 : i1 to i32
    %cond3A = arith.constant 0 : i32
    %cond3A_16 = arith.cmpi ne, %convert_element_type3A, %cond3A : i32
    scf.if %cond3A_16 {
      "tpu.region"() ({
        %run_scoped3A = tpu.sem_alloc : memref<!tpu.dma_semaphore, #tpu.memory_space<semaphore_mem>>
        %dma_start3A = arith.constant 0 : i32
        %dma_start3A_32 = arith.constant 0 : i32
        %dma_start3A_33 = tpu.memref_slice %arg4[%arg1, %dma_start3A, %dma_start3A_32] : memref<16x79x128xi32, #tpu.memory_space<hbm>> -> memref<1x79x128xi32, #tpu.memory_space<hbm>>
        %dma_start3A_34 = tpu.memref_squeeze %dma_start3A_33 : memref<1x79x128xi32, #tpu.memory_space<hbm>> -> memref<79x128xi32, #tpu.memory_space<hbm>>
        %dma_start3A_35 = arith.constant 0 : i32
        %dma_start3A_36 = arith.constant 0 : i32
        %dma_start3A_37 = tpu.memref_slice %arg4[%arg1, %dma_start3A_35, %dma_start3A_36] : memref<16x79x128xi32, #tpu.memory_space<hbm>> -> memref<1x79x128xi32, #tpu.memory_space<hbm>>
        %dma_start3A_38 = tpu.memref_squeeze %dma_start3A_37 : memref<1x79x128xi32, #tpu.memory_space<hbm>> -> memref<79x128xi32, #tpu.memory_space<hbm>>
        tpu.enqueue_dma source(%dma_start3A_38 : memref<79x128xi32, #tpu.memory_space<hbm>>) target(%arg9 : memref<79x128xi32, #tpu.memory_space<vmem>>) target_semaphore(%run_scoped3A : memref<!tpu.dma_semaphore, #tpu.memory_space<semaphore_mem>>)
        %dma_wait3A = arith.constant 0 : i32
        %dma_wait3A_39 = arith.constant 0 : i32
        %dma_wait3A_40 = tpu.memref_slice %arg4[%arg1, %dma_wait3A, %dma_wait3A_39] : memref<16x79x128xi32, #tpu.memory_space<hbm>> -> memref<1x79x128xi32, #tpu.memory_space<hbm>>
        %dma_wait3A_41 = tpu.memref_squeeze %dma_wait3A_40 : memref<1x79x128xi32, #tpu.memory_space<hbm>> -> memref<79x128xi32, #tpu.memory_space<hbm>>
        %dma_wait3A_42 = arith.constant 0 : i32
        %dma_wait3A_43 = arith.constant 0 : i32
        %dma_wait3A_44 = tpu.memref_slice %arg4[%arg1, %dma_wait3A_42, %dma_wait3A_43] : memref<16x79x128xi32, #tpu.memory_space<hbm>> -> memref<1x79x128xi32, #tpu.memory_space<hbm>>
        %dma_wait3A_45 = tpu.memref_squeeze %dma_wait3A_44 : memref<1x79x128xi32, #tpu.memory_space<hbm>> -> memref<79x128xi32, #tpu.memory_space<hbm>>
        tpu.wait_dma2 semaphore(%run_scoped3A : memref<!tpu.dma_semaphore, #tpu.memory_space<semaphore_mem>>) src(%dma_wait3A_45 : memref<79x128xi32, #tpu.memory_space<hbm>>) dst(%arg9 : memref<79x128xi32, #tpu.memory_space<vmem>>)
        tpu.yield
      }) : () -> ()
      "tpu.region"() ({
        %run_scoped3A = tpu.sem_alloc : memref<!tpu.dma_semaphore, #tpu.memory_space<semaphore_mem>>
        %dma_start3A = arith.constant 0 : i32
        %dma_start3A_32 = arith.constant 0 : i32
        %dma_start3A_33 = tpu.memref_slice %arg5[%arg1, %dma_start3A, %dma_start3A_32] : memref<16x79x128xi32, #tpu.memory_space<hbm>> -> memref<1x79x128xi32, #tpu.memory_space<hbm>>
        %dma_start3A_34 = tpu.memref_squeeze %dma_start3A_33 : memref<1x79x128xi32, #tpu.memory_space<hbm>> -> memref<79x128xi32, #tpu.memory_space<hbm>>
        %dma_start3A_35 = arith.constant 0 : i32
        %dma_start3A_36 = arith.constant 0 : i32
        %dma_start3A_37 = tpu.memref_slice %arg5[%arg1, %dma_start3A_35, %dma_start3A_36] : memref<16x79x128xi32, #tpu.memory_space<hbm>> -> memref<1x79x128xi32, #tpu.memory_space<hbm>>
        %dma_start3A_38 = tpu.memref_squeeze %dma_start3A_37 : memref<1x79x128xi32, #tpu.memory_space<hbm>> -> memref<79x128xi32, #tpu.memory_space<hbm>>
        tpu.enqueue_dma source(%dma_start3A_38 : memref<79x128xi32, #tpu.memory_space<hbm>>) target(%arg10 : memref<79x128xi32, #tpu.memory_space<vmem>>) target_semaphore(%run_scoped3A : memref<!tpu.dma_semaphore, #tpu.memory_space<semaphore_mem>>)
        %dma_wait3A = arith.constant 0 : i32
        %dma_wait3A_39 = arith.constant 0 : i32
        %dma_wait3A_40 = tpu.memref_slice %arg5[%arg1, %dma_wait3A, %dma_wait3A_39] : memref<16x79x128xi32, #tpu.memory_space<hbm>> -> memref<1x79x128xi32, #tpu.memory_space<hbm>>
        %dma_wait3A_41 = tpu.memref_squeeze %dma_wait3A_40 : memref<1x79x128xi32, #tpu.memory_space<hbm>> -> memref<79x128xi32, #tpu.memory_space<hbm>>
        %dma_wait3A_42 = arith.constant 0 : i32
        %dma_wait3A_43 = arith.constant 0 : i32
        %dma_wait3A_44 = tpu.memref_slice %arg5[%arg1, %dma_wait3A_42, %dma_wait3A_43] : memref<16x79x128xi32, #tpu.memory_space<hbm>> -> memref<1x79x128xi32, #tpu.memory_space<hbm>>
        %dma_wait3A_45 = tpu.memref_squeeze %dma_wait3A_44 : memref<1x79x128xi32, #tpu.memory_space<hbm>> -> memref<79x128xi32, #tpu.memory_space<hbm>>
        tpu.wait_dma2 semaphore(%run_scoped3A : memref<!tpu.dma_semaphore, #tpu.memory_space<semaphore_mem>>) src(%dma_wait3A_45 : memref<79x128xi32, #tpu.memory_space<hbm>>) dst(%arg10 : memref<79x128xi32, #tpu.memory_space<vmem>>)
        tpu.yield
      }) : () -> ()
      %barrier3A = arith.constant 0 : index
      tpu.barrier barrier_id(%barrier3A)
      %scan3A_22 = arith.constant 0 : i32
      %scan3A_23 = arith.constant 0 : i32
      %scan3A_24 = arith.constant 79 : i32
      %scan3A_25 = arith.addi %scan3A_23, %scan3A_24 : i32
      %scan3A_26 = arith.constant 1 : i32
      %scan3A_27 = scf.for %scan3A_32 = %scan3A_23 to %scan3A_25 step %scan3A_26 iter_args(%scan3A_33 = %scan3A_22) -> (i32)  : i32 {
        "tpu.region"() ({
          %run_scoped3A = tpu.sem_alloc : memref<!tpu.dma_semaphore, #tpu.memory_space<semaphore_mem>>
          %dma_start3A = arith.constant 0 : i32
          %dma_start3A_35 = tpu.memref_slice %arg9[%scan3A_32, %dma_start3A] : memref<79x128xi32, #tpu.memory_space<vmem>> -> memref<1x128xi32, #tpu.memory_space<vmem>>
          %dma_start3A_36 = tpu.memref_squeeze %dma_start3A_35 : memref<1x128xi32, #tpu.memory_space<vmem>> -> memref<128xi32, #tpu.memory_space<vmem>>
          %dma_start3A_37 = arith.constant 0 : i32
          %dma_start3A_38 = arith.constant 0 : i32
          %dma_start3A_39 = tpu.memref_slice %arg2[%dma_start3A_37, %dma_start3A_38] : memref<10000x128xf32, #tpu.memory_space<hbm>> -> memref<10000x128xf32, #tpu.memory_space<hbm>>
          tpu.enqueue_indirect_dma source(%dma_start3A_39 : memref<10000x128xf32, #tpu.memory_space<hbm>>) target(%arg11 : memref<128x128xf32, #tpu.memory_space<vmem>>) offsets(%dma_start3A_36 : memref<128xi32, #tpu.memory_space<vmem>>) semaphore(%run_scoped3A : memref<!tpu.dma_semaphore, #tpu.memory_space<semaphore_mem>>)
          %dma_wait3A = arith.constant 0 : i32
          %dma_wait3A_40 = tpu.memref_slice %arg9[%scan3A_32, %dma_wait3A] : memref<79x128xi32, #tpu.memory_space<vmem>> -> memref<1x128xi32, #tpu.memory_space<vmem>>
          %dma_wait3A_41 = tpu.memref_squeeze %dma_wait3A_40 : memref<1x128xi32, #tpu.memory_space<vmem>> -> memref<128xi32, #tpu.memory_space<vmem>>
          %dma_wait3A_42 = arith.constant 0 : i32
          %dma_wait3A_43 = arith.constant 0 : i32
          %dma_wait3A_44 = tpu.memref_slice %arg2[%dma_wait3A_42, %dma_wait3A_43] : memref<10000x128xf32, #tpu.memory_space<hbm>> -> memref<10000x128xf32, #tpu.memory_space<hbm>>
          tpu.wait_indirect_dma semaphore(%run_scoped3A : memref<!tpu.dma_semaphore, #tpu.memory_space<semaphore_mem>>) src(%dma_wait3A_44 : memref<10000x128xf32, #tpu.memory_space<hbm>>) dst(%arg11 : memref<128x128xf32, #tpu.memory_space<vmem>>)
          tpu.yield
        }) : () -> ()
        "tpu.region"() ({
          %run_scoped3A = tpu.sem_alloc : memref<!tpu.dma_semaphore, #tpu.memory_space<semaphore_mem>>
          %dma_start3A = arith.constant 0 : i32
          %dma_start3A_35 = tpu.memref_slice %arg10[%scan3A_32, %dma_start3A] : memref<79x128xi32, #tpu.memory_space<vmem>> -> memref<1x128xi32, #tpu.memory_space<vmem>>
          %dma_start3A_36 = tpu.memref_squeeze %dma_start3A_35 : memref<1x128xi32, #tpu.memory_space<vmem>> -> memref<128xi32, #tpu.memory_space<vmem>>
          %dma_start3A_37 = arith.constant 0 : i32
          %dma_start3A_38 = arith.constant 0 : i32
          %dma_start3A_39 = tpu.memref_slice %arg8[%dma_start3A_37, %dma_start3A_38] : memref<10240x128xf32, #tpu.memory_space<vmem_shared>> -> memref<10240x128xf32, #tpu.memory_space<vmem_shared>>
          tpu.enqueue_indirect_dma source(%arg11 : memref<128x128xf32, #tpu.memory_space<vmem>>) target(%dma_start3A_39 : memref<10240x128xf32, #tpu.memory_space<vmem_shared>>) offsets(%dma_start3A_36 : memref<128xi32, #tpu.memory_space<vmem>>) semaphore(%run_scoped3A : memref<!tpu.dma_semaphore, #tpu.memory_space<semaphore_mem>>) {add = true}
          %dma_wait3A = arith.constant 0 : i32
          %dma_wait3A_40 = tpu.memref_slice %arg10[%scan3A_32, %dma_wait3A] : memref<79x128xi32, #tpu.memory_space<vmem>> -> memref<1x128xi32, #tpu.memory_space<vmem>>
          %dma_wait3A_41 = tpu.memref_squeeze %dma_wait3A_40 : memref<1x128xi32, #tpu.memory_space<vmem>> -> memref<128xi32, #tpu.memory_space<vmem>>
          %dma_wait3A_42 = arith.constant 0 : i32
          %dma_wait3A_43 = arith.constant 0 : i32
          %dma_wait3A_44 = tpu.memref_slice %arg8[%dma_wait3A_42, %dma_wait3A_43] : memref<10240x128xf32, #tpu.memory_space<vmem_shared>> -> memref<10240x128xf32, #tpu.memory_space<vmem_shared>>
          tpu.wait_indirect_dma semaphore(%run_scoped3A : memref<!tpu.dma_semaphore, #tpu.memory_space<semaphore_mem>>) src(%arg11 : memref<128x128xf32, #tpu.memory_space<vmem>>) dst(%dma_wait3A_44 : memref<10240x128xf32, #tpu.memory_space<vmem_shared>>)
          tpu.yield
        }) : () -> ()
        %scan3A_34 = arith.constant 0 : i32
        scf.yield %scan3A_34 : i32
      }
      %scan3A_28 = arith.constant 79 : i32
      %barrier3A_29 = arith.constant 0 : index
      tpu.barrier barrier_id(%barrier3A_29)
      %mul3A_30 = arith.constant 640 : i32
      %mul3A_31 = arith.muli %arg1, %mul3A_30 : i32
      "tpu.region"() ({
        %run_scoped3A = tpu.sem_alloc : memref<!tpu.dma_semaphore, #tpu.memory_space<semaphore_mem>>
        %dma_start3A = arith.constant 0 : i32
        %dma_start3A_32 = tpu.memref_slice %arg6[%mul3A_31, %dma_start3A] : memref<10240x128xf32, #tpu.memory_space<hbm>> -> memref<640x128xf32, #tpu.memory_space<hbm>>
        %dma_start3A_33 = arith.constant 0 : i32
        %dma_start3A_34 = tpu.memref_slice %arg8[%mul3A_31, %dma_start3A_33] : memref<10240x128xf32, #tpu.memory_space<vmem_shared>> -> memref<640x128xf32, #tpu.memory_space<vmem_shared>>
        tpu.enqueue_dma source(%dma_start3A_34 : memref<640x128xf32, #tpu.memory_space<vmem_shared>>) target(%dma_start3A_32 : memref<640x128xf32, #tpu.memory_space<hbm>>) target_semaphore(%run_scoped3A : memref<!tpu.dma_semaphore, #tpu.memory_space<semaphore_mem>>)
        %dma_wait3A = arith.constant 0 : i32
        %dma_wait3A_35 = tpu.memref_slice %arg6[%mul3A_31, %dma_wait3A] : memref<10240x128xf32, #tpu.memory_space<hbm>> -> memref<640x128xf32, #tpu.memory_space<hbm>>
        %dma_wait3A_36 = arith.constant 0 : i32
        %dma_wait3A_37 = tpu.memref_slice %arg8[%mul3A_31, %dma_wait3A_36] : memref<10240x128xf32, #tpu.memory_space<vmem_shared>> -> memref<640x128xf32, #tpu.memory_space<vmem_shared>>
        tpu.wait_dma2 semaphore(%run_scoped3A : memref<!tpu.dma_semaphore, #tpu.memory_space<semaphore_mem>>) src(%dma_wait3A_37 : memref<640x128xf32, #tpu.memory_space<vmem_shared>>) dst(%dma_wait3A_35 : memref<640x128xf32, #tpu.memory_space<hbm>>)
        tpu.yield
      }) : () -> ()
    } else {
    }
    %eq3A_17 = arith.constant 1 : i32
    %eq3A_18 = arith.cmpi eq, %arg0, %eq3A_17 : i32
    %convert_element_type3A_19 = arith.extui %eq3A_18 : i1 to i32
    %cond3A_20 = arith.constant 0 : i32
    %cond3A_21 = arith.cmpi ne, %convert_element_type3A_19, %cond3A_20 : i32
    scf.if %cond3A_21 {
      "tpu.region"() ({
        %run_scoped3A = tpu.sem_alloc : memref<!tpu.dma_semaphore, #tpu.memory_space<semaphore_mem>>
        %dma_start3A = arith.constant 0 : i32
        %dma_start3A_32 = arith.constant 0 : i32
        %dma_start3A_33 = tpu.memref_slice %arg4[%arg1, %dma_start3A, %dma_start3A_32] : memref<16x79x128xi32, #tpu.memory_space<hbm>> -> memref<1x79x128xi32, #tpu.memory_space<hbm>>
        %dma_start3A_34 = tpu.memref_squeeze %dma_start3A_33 : memref<1x79x128xi32, #tpu.memory_space<hbm>> -> memref<79x128xi32, #tpu.memory_space<hbm>>
        %dma_start3A_35 = arith.constant 0 : i32
        %dma_start3A_36 = arith.constant 0 : i32
        %dma_start3A_37 = tpu.memref_slice %arg4[%arg1, %dma_start3A_35, %dma_start3A_36] : memref<16x79x128xi32, #tpu.memory_space<hbm>> -> memref<1x79x128xi32, #tpu.memory_space<hbm>>
        %dma_start3A_38 = tpu.memref_squeeze %dma_start3A_37 : memref<1x79x128xi32, #tpu.memory_space<hbm>> -> memref<79x128xi32, #tpu.memory_space<hbm>>
        tpu.enqueue_dma source(%dma_start3A_38 : memref<79x128xi32, #tpu.memory_space<hbm>>) target(%arg9 : memref<79x128xi32, #tpu.memory_space<vmem>>) target_semaphore(%run_scoped3A : memref<!tpu.dma_semaphore, #tpu.memory_space<semaphore_mem>>)
        %dma_wait3A = arith.constant 0 : i32
        %dma_wait3A_39 = arith.constant 0 : i32
        %dma_wait3A_40 = tpu.memref_slice %arg4[%arg1, %dma_wait3A, %dma_wait3A_39] : memref<16x79x128xi32, #tpu.memory_space<hbm>> -> memref<1x79x128xi32, #tpu.memory_space<hbm>>
        %dma_wait3A_41 = tpu.memref_squeeze %dma_wait3A_40 : memref<1x79x128xi32, #tpu.memory_space<hbm>> -> memref<79x128xi32, #tpu.memory_space<hbm>>
        %dma_wait3A_42 = arith.constant 0 : i32
        %dma_wait3A_43 = arith.constant 0 : i32
        %dma_wait3A_44 = tpu.memref_slice %arg4[%arg1, %dma_wait3A_42, %dma_wait3A_43] : memref<16x79x128xi32, #tpu.memory_space<hbm>> -> memref<1x79x128xi32, #tpu.memory_space<hbm>>
        %dma_wait3A_45 = tpu.memref_squeeze %dma_wait3A_44 : memref<1x79x128xi32, #tpu.memory_space<hbm>> -> memref<79x128xi32, #tpu.memory_space<hbm>>
        tpu.wait_dma2 semaphore(%run_scoped3A : memref<!tpu.dma_semaphore, #tpu.memory_space<semaphore_mem>>) src(%dma_wait3A_45 : memref<79x128xi32, #tpu.memory_space<hbm>>) dst(%arg9 : memref<79x128xi32, #tpu.memory_space<vmem>>)
        tpu.yield
      }) : () -> ()
      "tpu.region"() ({
        %run_scoped3A = tpu.sem_alloc : memref<!tpu.dma_semaphore, #tpu.memory_space<semaphore_mem>>
        %dma_start3A = arith.constant 0 : i32
        %dma_start3A_32 = arith.constant 0 : i32
        %dma_start3A_33 = tpu.memref_slice %arg5[%arg1, %dma_start3A, %dma_start3A_32] : memref<16x79x128xi32, #tpu.memory_space<hbm>> -> memref<1x79x128xi32, #tpu.memory_space<hbm>>
        %dma_start3A_34 = tpu.memref_squeeze %dma_start3A_33 : memref<1x79x128xi32, #tpu.memory_space<hbm>> -> memref<79x128xi32, #tpu.memory_space<hbm>>
        %dma_start3A_35 = arith.constant 0 : i32
        %dma_start3A_36 = arith.constant 0 : i32
        %dma_start3A_37 = tpu.memref_slice %arg5[%arg1, %dma_start3A_35, %dma_start3A_36] : memref<16x79x128xi32, #tpu.memory_space<hbm>> -> memref<1x79x128xi32, #tpu.memory_space<hbm>>
        %dma_start3A_38 = tpu.memref_squeeze %dma_start3A_37 : memref<1x79x128xi32, #tpu.memory_space<hbm>> -> memref<79x128xi32, #tpu.memory_space<hbm>>
        tpu.enqueue_dma source(%dma_start3A_38 : memref<79x128xi32, #tpu.memory_space<hbm>>) target(%arg10 : memref<79x128xi32, #tpu.memory_space<vmem>>) target_semaphore(%run_scoped3A : memref<!tpu.dma_semaphore, #tpu.memory_space<semaphore_mem>>)
        %dma_wait3A = arith.constant 0 : i32
        %dma_wait3A_39 = arith.constant 0 : i32
        %dma_wait3A_40 = tpu.memref_slice %arg5[%arg1, %dma_wait3A, %dma_wait3A_39] : memref<16x79x128xi32, #tpu.memory_space<hbm>> -> memref<1x79x128xi32, #tpu.memory_space<hbm>>
        %dma_wait3A_41 = tpu.memref_squeeze %dma_wait3A_40 : memref<1x79x128xi32, #tpu.memory_space<hbm>> -> memref<79x128xi32, #tpu.memory_space<hbm>>
        %dma_wait3A_42 = arith.constant 0 : i32
        %dma_wait3A_43 = arith.constant 0 : i32
        %dma_wait3A_44 = tpu.memref_slice %arg5[%arg1, %dma_wait3A_42, %dma_wait3A_43] : memref<16x79x128xi32, #tpu.memory_space<hbm>> -> memref<1x79x128xi32, #tpu.memory_space<hbm>>
        %dma_wait3A_45 = tpu.memref_squeeze %dma_wait3A_44 : memref<1x79x128xi32, #tpu.memory_space<hbm>> -> memref<79x128xi32, #tpu.memory_space<hbm>>
        tpu.wait_dma2 semaphore(%run_scoped3A : memref<!tpu.dma_semaphore, #tpu.memory_space<semaphore_mem>>) src(%dma_wait3A_45 : memref<79x128xi32, #tpu.memory_space<hbm>>) dst(%arg10 : memref<79x128xi32, #tpu.memory_space<vmem>>)
        tpu.yield
      }) : () -> ()
      %barrier3A = arith.constant 0 : index
      tpu.barrier barrier_id(%barrier3A)
      %scan3A_22 = arith.constant 0 : i32
      %scan3A_23 = arith.constant 0 : i32
      %scan3A_24 = arith.constant 79 : i32
      %scan3A_25 = arith.addi %scan3A_23, %scan3A_24 : i32
      %scan3A_26 = arith.constant 1 : i32
      %scan3A_27 = scf.for %scan3A_32 = %scan3A_23 to %scan3A_25 step %scan3A_26 iter_args(%scan3A_33 = %scan3A_22) -> (i32)  : i32 {
        "tpu.region"() ({
          %run_scoped3A = tpu.sem_alloc : memref<!tpu.dma_semaphore, #tpu.memory_space<semaphore_mem>>
          %dma_start3A = arith.constant 0 : i32
          %dma_start3A_35 = tpu.memref_slice %arg9[%scan3A_32, %dma_start3A] : memref<79x128xi32, #tpu.memory_space<vmem>> -> memref<1x128xi32, #tpu.memory_space<vmem>>
          %dma_start3A_36 = tpu.memref_squeeze %dma_start3A_35 : memref<1x128xi32, #tpu.memory_space<vmem>> -> memref<128xi32, #tpu.memory_space<vmem>>
          %dma_start3A_37 = arith.constant 0 : i32
          %dma_start3A_38 = arith.constant 0 : i32
          %dma_start3A_39 = tpu.memref_slice %arg3[%dma_start3A_37, %dma_start3A_38] : memref<10000x128xf32, #tpu.memory_space<hbm>> -> memref<10000x128xf32, #tpu.memory_space<hbm>>
          tpu.enqueue_indirect_dma source(%dma_start3A_39 : memref<10000x128xf32, #tpu.memory_space<hbm>>) target(%arg11 : memref<128x128xf32, #tpu.memory_space<vmem>>) offsets(%dma_start3A_36 : memref<128xi32, #tpu.memory_space<vmem>>) semaphore(%run_scoped3A : memref<!tpu.dma_semaphore, #tpu.memory_space<semaphore_mem>>)
          %dma_wait3A = arith.constant 0 : i32
          %dma_wait3A_40 = tpu.memref_slice %arg9[%scan3A_32, %dma_wait3A] : memref<79x128xi32, #tpu.memory_space<vmem>> -> memref<1x128xi32, #tpu.memory_space<vmem>>
          %dma_wait3A_41 = tpu.memref_squeeze %dma_wait3A_40 : memref<1x128xi32, #tpu.memory_space<vmem>> -> memref<128xi32, #tpu.memory_space<vmem>>
          %dma_wait3A_42 = arith.constant 0 : i32
          %dma_wait3A_43 = arith.constant 0 : i32
          %dma_wait3A_44 = tpu.memref_slice %arg3[%dma_wait3A_42, %dma_wait3A_43] : memref<10000x128xf32, #tpu.memory_space<hbm>> -> memref<10000x128xf32, #tpu.memory_space<hbm>>
          tpu.wait_indirect_dma semaphore(%run_scoped3A : memref<!tpu.dma_semaphore, #tpu.memory_space<semaphore_mem>>) src(%dma_wait3A_44 : memref<10000x128xf32, #tpu.memory_space<hbm>>) dst(%arg11 : memref<128x128xf32, #tpu.memory_space<vmem>>)
          tpu.yield
        }) : () -> ()
        "tpu.region"() ({
          %run_scoped3A = tpu.sem_alloc : memref<!tpu.dma_semaphore, #tpu.memory_space<semaphore_mem>>
          %dma_start3A = arith.constant 0 : i32
          %dma_start3A_35 = tpu.memref_slice %arg10[%scan3A_32, %dma_start3A] : memref<79x128xi32, #tpu.memory_space<vmem>> -> memref<1x128xi32, #tpu.memory_space<vmem>>
          %dma_start3A_36 = tpu.memref_squeeze %dma_start3A_35 : memref<1x128xi32, #tpu.memory_space<vmem>> -> memref<128xi32, #tpu.memory_space<vmem>>
          %dma_start3A_37 = arith.constant 0 : i32
          %dma_start3A_38 = arith.constant 0 : i32
          %dma_start3A_39 = tpu.memref_slice %arg8[%dma_start3A_37, %dma_start3A_38] : memref<10240x128xf32, #tpu.memory_space<vmem_shared>> -> memref<10240x128xf32, #tpu.memory_space<vmem_shared>>
          tpu.enqueue_indirect_dma source(%arg11 : memref<128x128xf32, #tpu.memory_space<vmem>>) target(%dma_start3A_39 : memref<10240x128xf32, #tpu.memory_space<vmem_shared>>) offsets(%dma_start3A_36 : memref<128xi32, #tpu.memory_space<vmem>>) semaphore(%run_scoped3A : memref<!tpu.dma_semaphore, #tpu.memory_space<semaphore_mem>>) {add = true}
          %dma_wait3A = arith.constant 0 : i32
          %dma_wait3A_40 = tpu.memref_slice %arg10[%scan3A_32, %dma_wait3A] : memref<79x128xi32, #tpu.memory_space<vmem>> -> memref<1x128xi32, #tpu.memory_space<vmem>>
          %dma_wait3A_41 = tpu.memref_squeeze %dma_wait3A_40 : memref<1x128xi32, #tpu.memory_space<vmem>> -> memref<128xi32, #tpu.memory_space<vmem>>
          %dma_wait3A_42 = arith.constant 0 : i32
          %dma_wait3A_43 = arith.constant 0 : i32
          %dma_wait3A_44 = tpu.memref_slice %arg8[%dma_wait3A_42, %dma_wait3A_43] : memref<10240x128xf32, #tpu.memory_space<vmem_shared>> -> memref<10240x128xf32, #tpu.memory_space<vmem_shared>>
          tpu.wait_indirect_dma semaphore(%run_scoped3A : memref<!tpu.dma_semaphore, #tpu.memory_space<semaphore_mem>>) src(%arg11 : memref<128x128xf32, #tpu.memory_space<vmem>>) dst(%dma_wait3A_44 : memref<10240x128xf32, #tpu.memory_space<vmem_shared>>)
          tpu.yield
        }) : () -> ()
        %scan3A_34 = arith.constant 0 : i32
        scf.yield %scan3A_34 : i32
      }
      %scan3A_28 = arith.constant 79 : i32
      %barrier3A_29 = arith.constant 0 : index
      tpu.barrier barrier_id(%barrier3A_29)
      %mul3A_30 = arith.constant 640 : i32
      %mul3A_31 = arith.muli %arg1, %mul3A_30 : i32
      "tpu.region"() ({
        %run_scoped3A = tpu.sem_alloc : memref<!tpu.dma_semaphore, #tpu.memory_space<semaphore_mem>>
        %dma_start3A = arith.constant 0 : i32
        %dma_start3A_32 = tpu.memref_slice %arg7[%mul3A_31, %dma_start3A] : memref<10240x128xf32, #tpu.memory_space<hbm>> -> memref<640x128xf32, #tpu.memory_space<hbm>>
        %dma_start3A_33 = arith.constant 0 : i32
        %dma_start3A_34 = tpu.memref_slice %arg8[%mul3A_31, %dma_start3A_33] : memref<10240x128xf32, #tpu.memory_space<vmem_shared>> -> memref<640x128xf32, #tpu.memory_space<vmem_shared>>
        tpu.enqueue_dma source(%dma_start3A_34 : memref<640x128xf32, #tpu.memory_space<vmem_shared>>) target(%dma_start3A_32 : memref<640x128xf32, #tpu.memory_space<hbm>>) target_semaphore(%run_scoped3A : memref<!tpu.dma_semaphore, #tpu.memory_space<semaphore_mem>>)
        %dma_wait3A = arith.constant 0 : i32
        %dma_wait3A_35 = tpu.memref_slice %arg7[%mul3A_31, %dma_wait3A] : memref<10240x128xf32, #tpu.memory_space<hbm>> -> memref<640x128xf32, #tpu.memory_space<hbm>>
        %dma_wait3A_36 = arith.constant 0 : i32
        %dma_wait3A_37 = tpu.memref_slice %arg8[%mul3A_31, %dma_wait3A_36] : memref<10240x128xf32, #tpu.memory_space<vmem_shared>> -> memref<640x128xf32, #tpu.memory_space<vmem_shared>>
        tpu.wait_dma2 semaphore(%run_scoped3A : memref<!tpu.dma_semaphore, #tpu.memory_space<semaphore_mem>>) src(%dma_wait3A_37 : memref<640x128xf32, #tpu.memory_space<vmem_shared>>) dst(%dma_wait3A_35 : memref<640x128xf32, #tpu.memory_space<hbm>>)
        tpu.yield
      }) : () -> ()
    } else {
    }
    return
  }
}

module attributes {stable_mosaic.version = 14 : i64} {
  func.func @_mm1_body(%arg0: i32, %arg1: memref<1000x256xf32, #tpu.memory_space<vmem>>, %arg2: memref<256x256xf32, #tpu.memory_space<vmem>>, %arg3: memref<1x256xf32, #tpu.memory_space<vmem>>, %arg4: memref<1000x1xf32, #tpu.memory_space<vmem>>, %arg5: memref<1000x128xf32, #tpu.memory_space<vmem>>, %arg6: memref<1000x128xf32, #tpu.memory_space<vmem>>) attributes {dimension_semantics = [#tpu.dimension_semantics<arbitrary>], iteration_bounds = array<i64: 10>, scalar_prefetch = 0 : i64, scratch_operands = 0 : i64, tpu.core_type = #tpu.core_type<tc>, window_params = [{transform_indices = @transform_0, window_bounds = array<i64: 1000, 256>}, {pipeline_mode = #tpu.pipeline_mode<synchronous>, transform_indices = @transform_1, window_bounds = array<i64: 256, 256>}, {pipeline_mode = #tpu.pipeline_mode<synchronous>, transform_indices = @transform_2, window_bounds = array<i64: 1, 256>}, {transform_indices = @transform_3, window_bounds = array<i64: 1000, 1>}, {transform_indices = @transform_4, window_bounds = array<i64: 1000, 128>}, {transform_indices = @transform_5, window_bounds = array<i64: 1000, 128>}]} {
    %get3A = arith.constant 0 : index
    %get3A_0 = arith.constant 0 : index
    %get3A_1 = vector.load %arg1[%get3A, %get3A_0] : memref<1000x256xf32, #tpu.memory_space<vmem>>, vector<1000x256xf32>
    %get3A_2 = arith.constant 0 : index
    %get3A_3 = arith.constant 0 : index
    %get3A_4 = vector.load %arg2[%get3A_2, %get3A_3] : memref<256x256xf32, #tpu.memory_space<vmem>>, vector<256x256xf32>
    %dot_general3A = arith.constant dense<0.000000e+00> : vector<1000x256xf32>
    %dot_general3A_5 = tpu.matmul %get3A_1, %get3A_4, %dot_general3A {dimension_numbers = #tpu.dot_dimension_numbers<[1], [1], [0], [0], [0, 0, 1, 0], [], []>, transpose_lhs_hint = false} : vector<1000x256xf32>, vector<256x256xf32>, vector<1000x256xf32> -> vector<1000x256xf32>
    %get3A_6 = arith.constant 0 : index
    %get3A_7 = arith.constant 0 : index
    %get3A_8 = vector.load %arg3[%get3A_6, %get3A_7] : memref<1x256xf32, #tpu.memory_space<vmem>>, vector<1x256xf32>
    %add3A = vector.broadcast %get3A_8 : vector<1x256xf32> to vector<1000x256xf32>
    %add3A_9 = arith.addf %dot_general3A_5, %add3A : vector<1000x256xf32>
    %get3A_10 = arith.constant 0 : index
    %get3A_11 = arith.constant 0 : index
    %get3A_12 = vector.load %arg4[%get3A_10, %get3A_11] : memref<1000x1xf32, #tpu.memory_space<vmem>>, vector<1000x1xf32>
    %add3A_13 = arith.constant 1.000000e+00 : f32
    %add3A_14 = vector.broadcast %add3A_13 : f32 to vector<1000x1xf32>
    %add3A_15 = arith.addf %get3A_12, %add3A_14 : vector<1000x1xf32>
    %rsqrt3A = math.rsqrt %add3A_15 : vector<1000x1xf32>
    %mul3A = vector.broadcast %rsqrt3A : vector<1000x1xf32> to vector<1000x256xf32>
    %mul3A_16 = arith.mulf %add3A_9, %mul3A : vector<1000x256xf32>
    %slice3A = vector.extract_strided_slice %mul3A_16 {offsets = [0, 0], sizes = [1000, 128], strides = [1, 1]} : vector<1000x256xf32> to vector<1000x128xf32>
    %swap3A = arith.constant 0 : index
    %swap3A_17 = arith.constant 0 : index
    %swap3A_18 = vector.load %arg5[%swap3A, %swap3A_17] : memref<1000x128xf32, #tpu.memory_space<vmem>>, vector<1000x128xf32>
    tpu.vector_store %arg5[%swap3A, %swap3A_17], %slice3A {strides = array<i32>} : memref<1000x128xf32, #tpu.memory_space<vmem>>, vector<1000x128xf32>,
    %slice3A_19 = vector.extract_strided_slice %mul3A_16 {offsets = [0, 128], sizes = [1000, 128], strides = [1, 1]} : vector<1000x256xf32> to vector<1000x128xf32>
    %swap3A_20 = arith.constant 0 : index
    %swap3A_21 = arith.constant 0 : index
    %swap3A_22 = vector.load %arg6[%swap3A_20, %swap3A_21] : memref<1000x128xf32, #tpu.memory_space<vmem>>, vector<1000x128xf32>
    tpu.vector_store %arg6[%swap3A_20, %swap3A_21], %slice3A_19 {strides = array<i32>} : memref<1000x128xf32, #tpu.memory_space<vmem>>, vector<1000x128xf32>,
    return
  }
  func.func @transform_0(%arg0: i32) -> (i32, i32) {
    %c0_i32 = arith.constant 0 : i32
    %c0_i32_0 = arith.constant 0 : i32
    return %arg0, %c0_i32 : i32, i32
  }
  func.func @transform_1(%arg0: i32) -> (i32, i32) {
    %c0_i32 = arith.constant 0 : i32
    %c0_i32_0 = arith.constant 0 : i32
    %c0_i32_1 = arith.constant 0 : i32
    return %c0_i32, %c0_i32_0 : i32, i32
  }
  func.func @transform_2(%arg0: i32) -> (i32, i32) {
    %c0_i32 = arith.constant 0 : i32
    %c0_i32_0 = arith.constant 0 : i32
    %c0_i32_1 = arith.constant 0 : i32
    return %c0_i32, %c0_i32_0 : i32, i32
  }
  func.func @transform_3(%arg0: i32) -> (i32, i32) {
    %c0_i32 = arith.constant 0 : i32
    %c0_i32_0 = arith.constant 0 : i32
    return %arg0, %c0_i32 : i32, i32
  }
  func.func @transform_4(%arg0: i32) -> (i32, i32) {
    %c0_i32 = arith.constant 0 : i32
    %c0_i32_0 = arith.constant 0 : i32
    return %arg0, %c0_i32 : i32, i32
  }
  func.func @transform_5(%arg0: i32) -> (i32, i32) {
    %c0_i32 = arith.constant 0 : i32
    %c0_i32_0 = arith.constant 0 : i32
    return %arg0, %c0_i32 : i32, i32
  }
}

module attributes {stable_mosaic.version = 14 : i64} {
  func.func @_mm2_body(%arg0: i32, %arg1: memref<1000x128xf32, #tpu.memory_space<vmem>>, %arg2: memref<1000x128xf32, #tpu.memory_space<vmem>>, %arg3: memref<1000x128xf32, #tpu.memory_space<vmem>>, %arg4: memref<1000x128xf32, #tpu.memory_space<vmem>>, %arg5: memref<1000x1xf32, #tpu.memory_space<vmem>>, %arg6: memref<1000x1xf32, #tpu.memory_space<vmem>>, %arg7: memref<256x256xf32, #tpu.memory_space<vmem>>, %arg8: memref<1x256xf32, #tpu.memory_space<vmem>>, %arg9: memref<1x1xf32, #tpu.memory_space<vmem>>, %arg10: memref<1000x128xf32, #tpu.memory_space<vmem>>, %arg11: memref<1000x128xf32, #tpu.memory_space<vmem>>) attributes {dimension_semantics = [#tpu.dimension_semantics<arbitrary>], iteration_bounds = array<i64: 10>, scalar_prefetch = 0 : i64, scratch_operands = 0 : i64, tpu.core_type = #tpu.core_type<tc>, window_params = [{transform_indices = @transform_0, window_bounds = array<i64: 1000, 128>}, {transform_indices = @transform_1, window_bounds = array<i64: 1000, 128>}, {transform_indices = @transform_2, window_bounds = array<i64: 1000, 128>}, {transform_indices = @transform_3, window_bounds = array<i64: 1000, 128>}, {transform_indices = @transform_4, window_bounds = array<i64: 1000, 1>}, {transform_indices = @transform_5, window_bounds = array<i64: 1000, 1>}, {pipeline_mode = #tpu.pipeline_mode<synchronous>, transform_indices = @transform_6, window_bounds = array<i64: 256, 256>}, {pipeline_mode = #tpu.pipeline_mode<synchronous>, transform_indices = @transform_7, window_bounds = array<i64: 1, 256>}, {pipeline_mode = #tpu.pipeline_mode<synchronous>, transform_indices = @transform_8, window_bounds = array<i64: 1, 1>}, {transform_indices = @transform_9, window_bounds = array<i64: 1000, 128>}, {transform_indices = @transform_10, window_bounds = array<i64: 1000, 128>}]} {
    %get3A = arith.constant 0 : index
    %get3A_0 = arith.constant 0 : index
    %get3A_1 = vector.load %arg5[%get3A, %get3A_0] : memref<1000x1xf32, #tpu.memory_space<vmem>>, vector<1000x1xf32>
    %add3A = arith.constant 1.000000e+00 : f32
    %add3A_2 = vector.broadcast %add3A : f32 to vector<1000x1xf32>
    %add3A_3 = arith.addf %get3A_1, %add3A_2 : vector<1000x1xf32>
    %rsqrt3A = math.rsqrt %add3A_3 : vector<1000x1xf32>
    %div3A = arith.divf %rsqrt3A, %add3A_3 : vector<1000x1xf32>
    %get3A_4 = arith.constant 0 : index
    %get3A_5 = arith.constant 0 : index
    %get3A_6 = vector.load %arg1[%get3A_4, %get3A_5] : memref<1000x128xf32, #tpu.memory_space<vmem>>, vector<1000x128xf32>
    %get3A_7 = arith.constant 0 : index
    %get3A_8 = arith.constant 0 : index
    %get3A_9 = vector.load %arg3[%get3A_7, %get3A_8] : memref<1000x128xf32, #tpu.memory_space<vmem>>, vector<1000x128xf32>
    %add3A_10 = arith.addf %get3A_6, %get3A_9 : vector<1000x128xf32>
    %get3A_11 = arith.constant 0 : index
    %get3A_12 = arith.constant 0 : index
    %get3A_13 = vector.load %arg2[%get3A_11, %get3A_12] : memref<1000x128xf32, #tpu.memory_space<vmem>>, vector<1000x128xf32>
    %get3A_14 = arith.constant 0 : index
    %get3A_15 = arith.constant 0 : index
    %get3A_16 = vector.load %arg4[%get3A_14, %get3A_15] : memref<1000x128xf32, #tpu.memory_space<vmem>>, vector<1000x128xf32>
    %add3A_17 = arith.addf %get3A_13, %get3A_16 : vector<1000x128xf32>
    %concatenate3A = tpu.concatenate %add3A_10, %add3A_17 in 1 : vector<1000x128xf32>, vector<1000x128xf32> -> vector<1000x256xf32>
    %mul3A = vector.broadcast %div3A : vector<1000x1xf32> to vector<1000x256xf32>
    %mul3A_18 = arith.mulf %concatenate3A, %mul3A : vector<1000x256xf32>
    %ge3A = arith.constant 0.000000e+00 : f32
    %ge3A_19 = vector.broadcast %ge3A : f32 to vector<1000x256xf32>
    %ge3A_20 = arith.cmpf oge, %mul3A_18, %ge3A_19 : vector<1000x256xf32>
    %get3A_21 = arith.constant 0 : index
    %get3A_22 = arith.constant 0 : index
    %get3A_23 = vector.load %arg9[%get3A_21, %get3A_22] : memref<1x1xf32, #tpu.memory_space<vmem>>, vector<1x1xf32>
    %get3A_24 = vector.extract %get3A_23[0, 0] : f32 from vector<1x1xf32>
    %mul3A_25 = vector.broadcast %get3A_24 : f32 to vector<1000x256xf32>
    %mul3A_26 = arith.mulf %mul3A_25, %mul3A_18 : vector<1000x256xf32>
    %select_n3A = arith.select %ge3A_20, %mul3A_18, %mul3A_26 : vector<1000x256xi1>, vector<1000x256xf32>
    %get3A_27 = arith.constant 0 : index
    %get3A_28 = arith.constant 0 : index
    %get3A_29 = vector.load %arg7[%get3A_27, %get3A_28] : memref<256x256xf32, #tpu.memory_space<vmem>>, vector<256x256xf32>
    %dot_general3A = arith.constant dense<0.000000e+00> : vector<1000x256xf32>
    %dot_general3A_30 = tpu.matmul %select_n3A, %get3A_29, %dot_general3A {dimension_numbers = #tpu.dot_dimension_numbers<[1], [1], [0], [0], [0, 0, 1, 0], [], []>, transpose_lhs_hint = false} : vector<1000x256xf32>, vector<256x256xf32>, vector<1000x256xf32> -> vector<1000x256xf32>
    %get3A_31 = arith.constant 0 : index
    %get3A_32 = arith.constant 0 : index
    %get3A_33 = vector.load %arg8[%get3A_31, %get3A_32] : memref<1x256xf32, #tpu.memory_space<vmem>>, vector<1x256xf32>
    %add3A_34 = vector.broadcast %get3A_33 : vector<1x256xf32> to vector<1000x256xf32>
    %add3A_35 = arith.addf %dot_general3A_30, %add3A_34 : vector<1000x256xf32>
    %get3A_36 = arith.constant 0 : index
    %get3A_37 = arith.constant 0 : index
    %get3A_38 = vector.load %arg6[%get3A_36, %get3A_37] : memref<1000x1xf32, #tpu.memory_space<vmem>>, vector<1000x1xf32>
    %add3A_39 = arith.constant 1.000000e+00 : f32
    %add3A_40 = vector.broadcast %add3A_39 : f32 to vector<1000x1xf32>
    %add3A_41 = arith.addf %get3A_38, %add3A_40 : vector<1000x1xf32>
    %rsqrt3A_42 = math.rsqrt %add3A_41 : vector<1000x1xf32>
    %mul3A_43 = vector.broadcast %rsqrt3A_42 : vector<1000x1xf32> to vector<1000x256xf32>
    %mul3A_44 = arith.mulf %add3A_35, %mul3A_43 : vector<1000x256xf32>
    %slice3A = vector.extract_strided_slice %mul3A_44 {offsets = [0, 0], sizes = [1000, 128], strides = [1, 1]} : vector<1000x256xf32> to vector<1000x128xf32>
    %swap3A = arith.constant 0 : index
    %swap3A_45 = arith.constant 0 : index
    %swap3A_46 = vector.load %arg10[%swap3A, %swap3A_45] : memref<1000x128xf32, #tpu.memory_space<vmem>>, vector<1000x128xf32>
    tpu.vector_store %arg10[%swap3A, %swap3A_45], %slice3A {strides = array<i32>} : memref<1000x128xf32, #tpu.memory_space<vmem>>, vector<1000x128xf32>,
    %slice3A_47 = vector.extract_strided_slice %mul3A_44 {offsets = [0, 128], sizes = [1000, 128], strides = [1, 1]} : vector<1000x256xf32> to vector<1000x128xf32>
    %swap3A_48 = arith.constant 0 : index
    %swap3A_49 = arith.constant 0 : index
    %swap3A_50 = vector.load %arg11[%swap3A_48, %swap3A_49] : memref<1000x128xf32, #tpu.memory_space<vmem>>, vector<1000x128xf32>
    tpu.vector_store %arg11[%swap3A_48, %swap3A_49], %slice3A_47 {strides = array<i32>} : memref<1000x128xf32, #tpu.memory_space<vmem>>, vector<1000x128xf32>,
    return
  }
  func.func @transform_0(%arg0: i32) -> (i32, i32) {
    %c0_i32 = arith.constant 0 : i32
    %c0_i32_0 = arith.constant 0 : i32
    return %arg0, %c0_i32 : i32, i32
  }
  func.func @transform_1(%arg0: i32) -> (i32, i32) {
    %c0_i32 = arith.constant 0 : i32
    %c0_i32_0 = arith.constant 0 : i32
    return %arg0, %c0_i32 : i32, i32
  }
  func.func @transform_2(%arg0: i32) -> (i32, i32) {
    %c0_i32 = arith.constant 0 : i32
    %c0_i32_0 = arith.constant 0 : i32
    return %arg0, %c0_i32 : i32, i32
  }
  func.func @transform_3(%arg0: i32) -> (i32, i32) {
    %c0_i32 = arith.constant 0 : i32
    %c0_i32_0 = arith.constant 0 : i32
    return %arg0, %c0_i32 : i32, i32
  }
  func.func @transform_4(%arg0: i32) -> (i32, i32) {
    %c0_i32 = arith.constant 0 : i32
    %c0_i32_0 = arith.constant 0 : i32
    return %arg0, %c0_i32 : i32, i32
  }
  func.func @transform_5(%arg0: i32) -> (i32, i32) {
    %c0_i32 = arith.constant 0 : i32
    %c0_i32_0 = arith.constant 0 : i32
    return %arg0, %c0_i32 : i32, i32
  }
  func.func @transform_6(%arg0: i32) -> (i32, i32) {
    %c0_i32 = arith.constant 0 : i32
    %c0_i32_0 = arith.constant 0 : i32
    %c0_i32_1 = arith.constant 0 : i32
    return %c0_i32, %c0_i32_0 : i32, i32
  }
  func.func @transform_7(%arg0: i32) -> (i32, i32) {
    %c0_i32 = arith.constant 0 : i32
    %c0_i32_0 = arith.constant 0 : i32
    %c0_i32_1 = arith.constant 0 : i32
    return %c0_i32, %c0_i32_0 : i32, i32
  }
  func.func @transform_8(%arg0: i32) -> (i32, i32) {
    %c0_i32 = arith.constant 0 : i32
    %c0_i32_0 = arith.constant 0 : i32
    %c0_i32_1 = arith.constant 0 : i32
    return %c0_i32, %c0_i32_0 : i32, i32
  }
  func.func @transform_9(%arg0: i32) -> (i32, i32) {
    %c0_i32 = arith.constant 0 : i32
    %c0_i32_0 = arith.constant 0 : i32
    return %arg0, %c0_i32 : i32, i32
  }
  func.func @transform_10(%arg0: i32) -> (i32, i32) {
    %c0_i32 = arith.constant 0 : i32
    %c0_i32_0 = arith.constant 0 : i32
    return %arg0, %c0_i32 : i32, i32
  }
}

module attributes {stable_mosaic.version = 14 : i64} {
  func.func @_mm3_body(%arg0: i32, %arg1: memref<1000x128xf32, #tpu.memory_space<vmem>>, %arg2: memref<1000x128xf32, #tpu.memory_space<vmem>>, %arg3: memref<1000x128xf32, #tpu.memory_space<vmem>>, %arg4: memref<1000x128xf32, #tpu.memory_space<vmem>>, %arg5: memref<1000x1xf32, #tpu.memory_space<vmem>>, %arg6: memref<1000x256xf32, #tpu.memory_space<vmem>>) attributes {dimension_semantics = [#tpu.dimension_semantics<arbitrary>], iteration_bounds = array<i64: 10>, scalar_prefetch = 0 : i64, scratch_operands = 0 : i64, tpu.core_type = #tpu.core_type<tc>, window_params = [{transform_indices = @transform_0, window_bounds = array<i64: 1000, 128>}, {transform_indices = @transform_1, window_bounds = array<i64: 1000, 128>}, {transform_indices = @transform_2, window_bounds = array<i64: 1000, 128>}, {transform_indices = @transform_3, window_bounds = array<i64: 1000, 128>}, {transform_indices = @transform_4, window_bounds = array<i64: 1000, 1>}, {transform_indices = @transform_5, window_bounds = array<i64: 1000, 256>}]} {
    %get3A = arith.constant 0 : index
    %get3A_0 = arith.constant 0 : index
    %get3A_1 = vector.load %arg5[%get3A, %get3A_0] : memref<1000x1xf32, #tpu.memory_space<vmem>>, vector<1000x1xf32>
    %add3A = arith.constant 1.000000e+00 : f32
    %add3A_2 = vector.broadcast %add3A : f32 to vector<1000x1xf32>
    %add3A_3 = arith.addf %get3A_1, %add3A_2 : vector<1000x1xf32>
    %rsqrt3A = math.rsqrt %add3A_3 : vector<1000x1xf32>
    %div3A = arith.divf %rsqrt3A, %add3A_3 : vector<1000x1xf32>
    %get3A_4 = arith.constant 0 : index
    %get3A_5 = arith.constant 0 : index
    %get3A_6 = vector.load %arg1[%get3A_4, %get3A_5] : memref<1000x128xf32, #tpu.memory_space<vmem>>, vector<1000x128xf32>
    %get3A_7 = arith.constant 0 : index
    %get3A_8 = arith.constant 0 : index
    %get3A_9 = vector.load %arg3[%get3A_7, %get3A_8] : memref<1000x128xf32, #tpu.memory_space<vmem>>, vector<1000x128xf32>
    %add3A_10 = arith.addf %get3A_6, %get3A_9 : vector<1000x128xf32>
    %get3A_11 = arith.constant 0 : index
    %get3A_12 = arith.constant 0 : index
    %get3A_13 = vector.load %arg2[%get3A_11, %get3A_12] : memref<1000x128xf32, #tpu.memory_space<vmem>>, vector<1000x128xf32>
    %get3A_14 = arith.constant 0 : index
    %get3A_15 = arith.constant 0 : index
    %get3A_16 = vector.load %arg4[%get3A_14, %get3A_15] : memref<1000x128xf32, #tpu.memory_space<vmem>>, vector<1000x128xf32>
    %add3A_17 = arith.addf %get3A_13, %get3A_16 : vector<1000x128xf32>
    %concatenate3A = tpu.concatenate %add3A_10, %add3A_17 in 1 : vector<1000x128xf32>, vector<1000x128xf32> -> vector<1000x256xf32>
    %mul3A = vector.broadcast %div3A : vector<1000x1xf32> to vector<1000x256xf32>
    %mul3A_18 = arith.mulf %concatenate3A, %mul3A : vector<1000x256xf32>
    %swap3A = arith.constant 0 : index
    %swap3A_19 = arith.constant 0 : index
    %swap3A_20 = vector.load %arg6[%swap3A, %swap3A_19] : memref<1000x256xf32, #tpu.memory_space<vmem>>, vector<1000x256xf32>
    tpu.vector_store %arg6[%swap3A, %swap3A_19], %mul3A_18 {strides = array<i32>} : memref<1000x256xf32, #tpu.memory_space<vmem>>, vector<1000x256xf32>,
    return
  }
  func.func @transform_0(%arg0: i32) -> (i32, i32) {
    %c0_i32 = arith.constant 0 : i32
    %c0_i32_0 = arith.constant 0 : i32
    return %arg0, %c0_i32 : i32, i32
  }
  func.func @transform_1(%arg0: i32) -> (i32, i32) {
    %c0_i32 = arith.constant 0 : i32
    %c0_i32_0 = arith.constant 0 : i32
    return %arg0, %c0_i32 : i32, i32
  }
  func.func @transform_2(%arg0: i32) -> (i32, i32) {
    %c0_i32 = arith.constant 0 : i32
    %c0_i32_0 = arith.constant 0 : i32
    return %arg0, %c0_i32 : i32, i32
  }
  func.func @transform_3(%arg0: i32) -> (i32, i32) {
    %c0_i32 = arith.constant 0 : i32
    %c0_i32_0 = arith.constant 0 : i32
    return %arg0, %c0_i32 : i32, i32
  }
  func.func @transform_4(%arg0: i32) -> (i32, i32) {
    %c0_i32 = arith.constant 0 : i32
    %c0_i32_0 = arith.constant 0 : i32
    return %arg0, %c0_i32 : i32, i32
  }
  func.func @transform_5(%arg0: i32) -> (i32, i32) {
    %c0_i32 = arith.constant 0 : i32
    %c0_i32_0 = arith.constant 0 : i32
    return %arg0, %c0_i32 : i32, i32
  }
}

</mosaic_0001>

<sc_bundles>
// kernel: kernel.11.cloned.1.call-start
scs
__scs_entry_jumppad:
0x0: {  	(pc) =	sbr.rel $0x88, $3  }
0x1: {  	(tag) =	ssettag $0x0;
	lr =	simm.s32 $0x1  }
0x2: {  	[smem:$0x3F9A] =	sst lr;
	_ =	strace $0xD0000000  }
0x3: {  	_ = 	snop  }
0x4: {  	_ = 	snop  }
0x5: {  	_ = 	snop  }
0x6: {  	_ = 	snop  }
0x7: {  	_ = 	snop  }
__scs_overlays_trampoline_lowered:
0x8: {  	[smem:$0x3FA9] =	sst s0  }
0x9: {  	[smem:$0x3FAA] =	sst s1  }
0xa: {  	[smem:$0x3FAB] =	sst s2  }
0xb: {  	[smem:$0x3FAC] =	sst s3  }
0xc: {  	[smem:$0x3FAD] =	sst s4  }
0xd: {  	[smem:$0x3FAE] =	sst s5  }
0xe: {  	[smem:$0x3FAF] =	sst s6  }
0xf: {  	[smem:$0x3FB0] =	sst s7  }
0x10: {  	[smem:$0x3FB1] =	sst s8  }
0x11: {  	[smem:$0x3FB2] =	sst s9;
	s0 =	simm.s32 @!p0 $0x0  }
0x12: {  	s1 =	sld [smem:$0x3F98];
	s0 =	simm.s32 @p0 $0x1  }
0x13: {  	[smem:$0x3FB3] =	sst s0;
	s0 =	simm.s32 @!p1 $0x0  }
0x14: {  	s2 =	sld [smem:$0x3F97];
	s0 =	simm.s32 @p1 $0x1  }
0x15: {  	[smem:$0x3FB4] =	sst s0;
	s0 =	simm.s32 @!p2 $0x0  }
0x16: {  	s3 =	sld [smem:$0x3FDB];
	s0 =	simm.s32 @p2 $0x1  }
0x17: {  	s4 =	simm.s32 $0x1BF5;
	[smem:$0x3FB6] =	sst s0  }
0x18: {  	s0 =	sld [smem:$0x3F99];
	_ =	swait.ge [sflag:s4], $0x0  }
0x19: {  	s7 =	sld [smem:$0x3F9A]  }
0x1a: {  	s8 =	sadd.s32 $0xFFFFE003, lr  }
0x1b: {  	s9 =	sadd.s32 $0xFFFFFEF7, lr;
	s5 =	simm.s32 $0xFFFFFFFF;
	p2 =	slt.u32 s8, $0xFFFFF086  }
0x1c: {  	p1 =	slt.u32 s9, $0xF7A;
	s5 =	simm.s32 @!p2 $0x0  }
0x1d: {  	s5 =	simm.s32 @p1 $0x1;
	p0 =	seq.s32 s7, s2  }
0x1e: {  	s7 =	smul.u32 @!p0 $0xF7A, s2;
	p2 =	seq.s32 @!p0 s5, $0x0  }
0x1f: {  	s9 =	smul.u32 $0xF7A, s1;
	s8 =	simm.s32 @!p0 $0x1BF5;
	p2 =	por !p2, p0  }
0x20: {  	[sflag:s8] =	ssyncset.s32 @!p0 $0xFFFFF086;
	s6 =	sadd.s32 @!p0 s3, s7;
	s7 =	simm.s32 @!p0 $0x108  }
0x21: {  	s3 =	sadd.s32 s3, s9;
	s6 =	sadd.s32 @!p0 $0x88, s6;
	s7 =	simm.s32 @p2 $0x1082  }
0x22: {  	[simem:s7], [sflag:s8] =	dma.local @!p0 [hbm:s6], $0xF7A  }
0x23: {  	s9 =	sor.u32 $0xD0000000, s2;
	s6 =	simm.s32 $0x108;
	_ =	swait.ge @!p0 [sflag:s8], $0x0  }
0x24: {  	s3 =	sadd.s32 $0x88, s3;
	s6 =	simm.s32 @!p1 $0x1082;
	[sflag:s4] =	ssyncset.s32 $0xFFFFF086  }
0x25: {  	[simem:s6], [sflag:s4] =	dma.local [hbm:s3], $0xF7A  }
0x26: {  	[smem:$0x3F9A] =	sst s1;
	(tag) =	ssettag s2;
	_ =	strace s9  }
0x27: {  	s1 =	sld [smem:$0x3FAA]  }
0x28: {  	s2 =	sld [smem:$0x3FAB]  }
0x29: {  	s4 =	sld [smem:$0x3FAD]  }
0x2a: {  	p0 =	seq.s32 s5, $0x0;
	s5 =	sld [smem:$0x3FAE]  }
0x2b: {  	s6 =	sld [smem:$0x3FAF]  }
0x2c: {  	s7 =	sld [smem:$0x3FB0]  }
0x2d: {  	s3 =	simm.s32 $0x108;
	s8 =	sld [smem:$0x3FB1]  }
0x2e: {  	s3 =	simm.s32 @!p0 $0x1082;
	s9 =	sld [smem:$0x3FB2]  }
0x2f: {  	lr =	sadd.s32 s0, s3;
	s0 =	sld [smem:$0x3FA9]  }
0x30: {  	s3 =	sld [smem:$0x3FAC]  }
0x31: {  	[smem:$0x3FB5] =	sst s10  }
0x32: {  	s10 =	sld [smem:$0x3FB3];
	_ =	sdelay $0x3  }
0x33: {  	p0 =	seq.s32 s10, $0x1;
	s10 =	sld [smem:$0x3FB5];
	_ =	sdelay $0x3  }
0x34: {  	[smem:$0x3FB5] =	sst s10  }
0x35: {  	s10 =	sld [smem:$0x3FB4];
	_ =	sdelay $0x3  }
0x36: {  	p1 =	seq.s32 s10, $0x1;
	s10 =	sld [smem:$0x3FB5];
	_ =	sdelay $0x3  }
0x37: {  	[smem:$0x3FB5] =	sst s10  }
0x38: {  	s10 =	sld [smem:$0x3FB6]  }
0x39: {  	_ = 	snop;
	(pc) =	sbr.ind lr, $3  }
0x3a: {  	_ = 	snop  }
0x3b: {  	_ = 	snop  }
0x3c: {  	p2 =	seq.s32 s10, $0x1;
	s10 =	sld [smem:$0x3FB5]  }
0x3d: {  	_ =	shalt  }
0x3e: {  	_ =	shalt  }
0x3f: {  	_ =	shalt  }
0x40: {  	_ =	shalt  }
0x41: {  	_ =	shalt  }
0x42: {  	_ =	shalt  }
0x43: {  	_ =	shalt  }
0x44: {  	_ =	shalt  }
0x45: {  	_ =	shalt  }
0x46: {  	_ =	shalt  }
0x47: {  	_ =	shalt  }
0x48: {  	_ =	shalt  }
0x49: {  	_ =	shalt  }
0x4a: {  	_ =	shalt  }
0x4b: {  	_ =	shalt  }
0x4c: {  	_ =	shalt  }
0x4d: {  	_ =	shalt  }
0x4e: {  	_ =	shalt  }
0x4f: {  	_ =	shalt  }
0x50: {  	_ =	shalt  }
0x51: {  	_ =	shalt  }
0x52: {  	_ =	shalt  }
0x53: {  	_ =	shalt  }
0x54: {  	_ =	shalt  }
0x55: {  	_ =	shalt  }
0x56: {  	_ =	shalt  }
0x57: {  	_ =	shalt  }
0x58: {  	_ =	shalt  }
0x59: {  	_ =	shalt  }
0x5a: {  	_ =	shalt  }
0x5b: {  	_ =	shalt  }
0x5c: {  	_ =	shalt  }
0x5d: {  	_ =	shalt  }
0x5e: {  	_ =	shalt  }
0x5f: {  	_ =	shalt  }
0x60: {  	_ =	shalt  }
0x61: {  	_ =	shalt  }
0x62: {  	_ =	shalt  }
0x63: {  	_ =	shalt  }
0x64: {  	_ =	shalt  }
0x65: {  	_ =	shalt  }
0x66: {  	_ =	shalt  }
0x67: {  	_ =	shalt  }
0x68: {  	_ =	shalt  }
0x69: {  	_ =	shalt  }
0x6a: {  	_ =	shalt  }
0x6b: {  	_ =	shalt  }
0x6c: {  	_ =	shalt  }
0x6d: {  	_ =	shalt  }
0x6e: {  	_ =	shalt  }
0x6f: {  	_ =	shalt  }
0x70: {  	_ =	shalt  }
0x71: {  	_ =	shalt  }
0x72: {  	_ =	shalt  }
0x73: {  	_ =	shalt  }
0x74: {  	_ =	shalt  }
0x75: {  	_ =	shalt  }
0x76: {  	_ =	shalt  }
0x77: {  	_ =	shalt  }
0x78: {  	_ =	shalt  }
0x79: {  	_ =	shalt  }
0x7a: {  	_ =	shalt  }
0x7b: {  	_ =	shalt  }
0x7c: {  	_ =	shalt  }
0x7d: {  	_ =	shalt  }
0x7e: {  	_ =	shalt  }
0x7f: {  	_ =	shalt  }
0x80: {  	_ =	shalt  }
0x81: {  	_ =	shalt  }
0x82: {  	_ =	shalt  }
0x83: {  	_ =	shalt  }
0x84: {  	_ =	shalt  }
0x85: {  	_ =	shalt  }
0x86: {  	_ =	shalt  }
0x87: {  	_ =	shalt  }
.Lfunc_end0:
.L_simem_size_0:
called_computation.1_lowered:
.L_overlay_start_0:
0x88: {  	s2 =	sld [smem:$0x3FD9]  }
0x89: {  	s3 =	sld [smem:$0x3FFE];
	_ =	sdelay $0x1  }
0x8a: {  	s1 =	srdreg.scid  }
0x8b: {  	s0 =	sand.u32 $0x1, s1  }
0x8c: {  	s17 =	sshll.u32 s0, $0xA;
	s2 =	sadd.s32 s3, s2  }
0x8d: {  	s2 =	sadd.s32 s2, s17  }
0x8e: {  	[smem:$0x3FC1] =	sst s2  }
0x8f: {  	_ = 	snop  }
0x90: {  	s2 =	sld [smem:$0x3FD0];
	(tm) =	ssettm $0x1  }
0x91: {  	s18 =	sld [smem:$0x3FFB];
	_ =	sdelay $0x3  }
0x92: {  	_ =	strace s18  }
0x93: {  	s3 =	sld [smem:$0x3FFC];
	_ =	sdelay $0x3  }
0x94: {  	_ =	strace s3  }
0x95: {  	s3 =	sld [smem:$0x3FFD];
	_ =	sdelay $0x3  }
0x96: {  	_ =	strace s3  }
0x97: {  	_ =	strace $0x8FFFFFFF  }
0x98: {  	s19 =	sld [smem:$0x3FDB];
	_ =	sdelay $0x1  }
0x99: {  	s4 =	simm.s32 $_scs_section_size  }
0x9a: {  	s5 =	simm.s32 $_size__tile_overlayer_lowered;
	s6 =	simm.s32 $_tile_overlayer_lowered  }
0x9b: {  	s22 =	simm.s32 $0x1BFF;
	s21 =	sshll.u32 s6, $0x1;
	s3 =	sadd.s32 s4, s19  }
0x9c: {  	s7 =	simm.s32 $0x0;
	s20 =	sshll.u32 s5, $0x1;
	s5 =	sadd.s32 s21, s3  }
0x9d: {  	[timem:s7], [sflag:s22] =	dma.local [hbm:s5], s20  }
0x9e: {  	_ =	swait.ge [sflag:s22], s20  }
0x9f: {  	s4 =	ssub.s32 $0x0, s20;
	[sflag:s22] =	ssyncset.done $0x0  }
0xa0: {  	[sflag:s22] =	ssyncadd.s32 s4;
	_ =	sdelay $0x1  }
0xa1: {  	s23 =	simm.s32 $0x1B8B  }
0xa2: {  	_ =	swait.ge [sflag:s23], $0x1  }
0xa3: {  	[sflag:s23] =	ssyncset.done $0x0  }
0xa4: {  	s25 =	simm.s32 $0x1B8E;
	s24 =	sld [smem:$0x3FFE];
	[sflag:s23] =	ssyncadd.s32 $0xFFFFFFFF  }
0xa5: {  	s26 =	simm.s32 $execute0_lowered;
	[smem:$0x3FD2] =	sst s25  }
0xa6: {  	s5 =	sshll.u32 s26, $0x1;
	_ =	strace $0x80000049;
	[dreg:$0x1] =	wrdreg $0xFFFFFFFF  }
0xa7: {  	s28 =	simm.s32 $_size_execute0_lowered;
	s3 =	sadd.s32 s3, s5;
	[dreg:$0x0] =	wrdreg $0x0  }
0xa8: {  	s5 =	sshll.u32 s28, $0x1;
	[dreg:$0x2] =	wrdreg s3  }
0xa9: {  	[dreg:$0x3] =	wrdreg s5  }
0xaa: {  	[dreg:$0x4] =	wrdreg $0xC0  }
0xab: {  	_ =	task [dreg:s7], $0x5FFFF  }
0xac: {  	[dreg:$0x1] =	wrdreg $0xFFFFFFFF  }
0xad: {  	[dreg:$0x0] =	wrdreg $0x60  }
0xae: {  	[dreg:$0x2] =	wrdreg s24  }
0xaf: {  	[dreg:$0x3] =	wrdreg s2  }
0xb0: {  	[dreg:$0x4] =	wrdreg $0x0  }
0xb1: {  	[dreg:$0x5] =	wrdreg $0x9  }
0xb2: {  	_ =	task.clear_ibuf [dreg:s7], $0x6FFFF;
	_ =	strace $0x90000049  }
0xb3: {  	s29 =	simm.s32 $0x9;
	_ =	strace $0x8000004B  }
0xb4: {  	_ =	swait.ge [sflag:s29], $0x1  }
0xb5: {  	[sflag:s29] =	ssyncadd.s32 $0xFFFFFFFF  }
0xb6: {  	_ =	strace $0x9000004B  }
0xb7: {  	_ =	sfence  }
0xb8: {  	s30 =	sld [smem:$0x0];
	_ =	sdelay $0x2  }
0xb9: {  	s31 =	sshll.u32 s1, $0xD;
	s1 =	sshrl.u32 s1, $0x2  }
0xba: {  	s3 =	sand.u32 $0x4000, s31;
	s1 =	sadd.s32 s1, s30  }
0xbb: {  	s0 =	sor.u32 s3, s0;
	s1 =	sshll.u32 s1, $0x11  }
0xbc: {  	s0 =	sor.u32 s1, s0  }
0xbd: {  	s0 =	sadd.s32 $0x8F2B, s0  }
0xbe: {  	[sflag:s0] =	ssyncadd.remote.s32 $0x1  }
0xbf: {  	_ =	sfence.sel $0xFFFF  }
0xc0: {  	[dreg:$0x0] =	wrdreg $0xFFFFFFFF;
	(pc) =	sbr.abs _section_cstart, $3  }
0xc1: {  	[dreg:$0x1] =	wrdreg $0xFFFFFFFF  }
0xc2: {  	_ =	task.clear_ibuf [dreg:s7], $0x2FFFF;
	_ =	strace $0x9FFFFFFF  }
0xc3: {  	(tm) =	ssettm $0x7FFFFFFF  }
tec
execute0_lowered:
.L_overlay_start_1:
0x0: {  	(tag) =	ssettag $0x1  }
0x1: {  	s7 =	rddreg [dreg:$0x0]  }
0x2: {  	s1 =	rddreg [dreg:$0x1]  }
0x3: {  	s3 =	rddreg [dreg:$0x2]  }
0x4: {  	s0 =	rddreg [dreg:$0x3];
	s4 =	simm.s32 $0x0;
	s2 =	stileid.u32  }
0x5: {  	s5 =	srdreg.scid;
	s17 =	simm.s32 $0x19000;
	s18 =	simm.s32 $0x1  }
0x6: {  	s19 =	simm.s32 $0x14000;
	s20 =	simm.s32 $0x16800;
	s21 =	simm.s32 $0x80  }
0x7: {  	[smem:$0x7FF] =	sst s4;
	s8 =	smul.u32 $0x500, s2;
	s9 =	sand.u32 $0x1, s5  }
0x8: {  	s5 =	sadd.s32 $0x36600, s7;
	s11 =	smul.u32 $0x50000, s2;
	s6 =	sadd.s32 $0x5D800, s7  }
0x9: {  	_ =	strace $0x8000004A;
	s10 =	ssub.s32 $0x2, s9;
	p0 =	seq.s32 s9, $0x1  }
.Ltmp0:
0xa: {  	s12 =	sadd.s32 s8, s7;
	s30 =	sshrl.u32 s10, $0x1;
	(pc) =	sbr.rel .LBB2_1-.Ltmp0, $4  }
0xb: {  	s7 =	sadd.s32 $0x84A00, s7;
	s31 =	sshrl.u32 s11, $0x2;
	s11 =	smul.u32 $0x2800, s2  }
0xc: {  	s13 =	ssub.s32 s10, s30;
	s8 =	sadd.s32 s31, s3;
	s9 =	sadd.s32 $0xA400, s12  }
0xd: {  	s10 =	sadd.s32 $0x4800, s12;
	s12 =	smax.u32 s13, $0x1;
	s13 =	sadd.s32 $0x4000, s8  }
0xe: {  	v0 =	vimm.f32 $0.0e+00;
	s14 =	sadd.s32 $0x8000, s8;
	s15 =	sadd.s32 $0xC000, s8;
	s16 =	sadd.s32 $0x10000, s8  }
.LBB2_6:
0xf: {  	s23 =	sadd.s32 $0x14000, s22;
	[sflag:s18] =	ssyncadd.s32 $0xFFFFC000  }
0x10: {  	[tilespmem:s17], [sflag:$0x1] =	stream.indirect.gather [hbm4b:s5+s21], $0x80, s23, s21, $0xb8;
	[tilespmem:$0x1D000] =	vst v63  }
0x11: {  	_ =	swait.ge [sflag:s18], $0x4000  }
0x12: {  	[sflag:s18] =	ssyncset.done $0x0  }
0x13: {  	s31 =	sadd.s32 $0x16800, s22;
	[sflag:s18] =	ssyncadd.s32 $0xFFFFC000  }
0x14: {  	[spmem:s3] =	stream.indirect.scatter.add.f32 [tilespmem:s17], [sflag:$0x1], $0x80, s31, s21, $0xb8;
	[tilespmem:$0x1D000] =	vst v63  }
0x15: {  	_ =	swait.ge [sflag:s18], $0x4000  }
0x16: {  	[sflag:s18] =	ssyncset.done $0x0  }
0x17: {  	s22 =	smov.u32 s1;
	[sflag:s18] =	ssyncadd.s32 $0xFFFFC000  }
.LBB2_10:
0x18: {  	s22 =	sadd.s32 s22, s11;
	s4 =	sadd.s32 $0x1, s4  }
0x19: {  	s23 =	sshll.u32 s2, $0x6;
	[bflag:$0x0] =	sbarrier.arrive $0xFFFF;
	p1 =	sne.s32 s4, s12  }
.Ltmp1:
0x1a: {  	s24 =	sshrl.u32 s8, $0x3;
	s23 =	sor.u32 $0x1C01, s23;
	(pc) =	sbr.rel @!p1 .LBB2_11-.Ltmp1, $4  }
0x1b: {  	[hbm:s22], [sflag:s23] =	dma.local [spmem:s24], $0x2800  }
0x1c: {  	_ =	swait.ge [sflag:s18], $0x2800  }
0x1d: {  	[sflag:s18] =	ssyncset.done $0x0  }
0x1e: {  	[sflag:s18] =	ssyncadd.s32 $0xFFFFD800  }
.LBB2_1:
0x1f: {  	s22 =	simm.s32 $0x0;
	s23 =	simm.s32 $0x200  }
.LBB2_2:
0x20: {  	p1 =	sne.s32 s23, $0xFE00;
	[tilespmem:s22+$0x19070] =	vst v0  }
0x21: {  	[tilespmem:s22+$0x19000] =	vst v0  }
0x22: {  	[tilespmem:s22+$0x19010] =	vst v0  }
.Ltmp2:
0x23: {  	[tilespmem:s22+$0x19020] =	vst v0;
	(pc) =	sbr.rel @p1 .LBB2_2-.Ltmp2, $4  }
0x24: {  	[tilespmem:s22+$0x19030] =	vst v0  }
0x25: {  	[tilespmem:s22+$0x19040] =	vst v0  }
0x26: {  	[tilespmem:s22+$0x19050] =	vst v0  }
0x27: {  	[tilespmem:s22+$0x19060] =	vst v0;
	s22 =	sshra.s32 s23, $0x2;
	s23 =	sadd.s32 $0x200, s23  }
0x28: {  	[tilespmem:s22+$0x19070] =	vst v0  }
0x29: {  	[tilespmem:s22+$0x19000] =	vst v0  }
0x2a: {  	[tilespmem:s22+$0x19010] =	vst v0  }
0x2b: {  	[tilespmem:s22+$0x19020] =	vst v0  }
0x2c: {  	[tilespmem:s22+$0x19030] =	vst v0  }
0x2d: {  	[tilespmem:s22+$0x19040] =	vst v0  }
0x2e: {  	[tilespmem:s22+$0x19050] =	vst v0  }
0x2f: {  	[tilespmem:s22+$0x19060] =	vst v0  }
0x30: {  	[spmem:s8] =	stream.linear.scatter [tilespmem:s17], [sflag:$0x1], $0x4000, $0x38;
	[tilespmem:$0x1D000] =	vst v63  }
0x31: {  	_ =	swait.ge [sflag:s18], $0x4000  }
0x32: {  	[sflag:s18] =	ssyncset.done $0x0  }
0x33: {  	[sflag:s18] =	ssyncadd.s32 $0xFFFFC000  }
0x34: {  	[spmem:s13] =	stream.linear.scatter [tilespmem:s17], [sflag:$0x1], $0x4000, $0x38;
	[tilespmem:$0x1D000] =	vst v63  }
0x35: {  	_ =	swait.ge [sflag:s18], $0x4000  }
0x36: {  	[sflag:s18] =	ssyncset.done $0x0  }
0x37: {  	[sflag:s18] =	ssyncadd.s32 $0xFFFFC000  }
0x38: {  	[spmem:s14] =	stream.linear.scatter [tilespmem:s17], [sflag:$0x1], $0x4000, $0x38;
	[tilespmem:$0x1D000] =	vst v63  }
0x39: {  	_ =	swait.ge [sflag:s18], $0x4000  }
0x3a: {  	[sflag:s18] =	ssyncset.done $0x0  }
0x3b: {  	[sflag:s18] =	ssyncadd.s32 $0xFFFFC000  }
0x3c: {  	[spmem:s15] =	stream.linear.scatter [tilespmem:s17], [sflag:$0x1], $0x4000, $0x38;
	[tilespmem:$0x1D000] =	vst v63  }
0x3d: {  	_ =	swait.ge [sflag:s18], $0x4000  }
0x3e: {  	[sflag:s18] =	ssyncset.done $0x0  }
0x3f: {  	[sflag:s18] =	ssyncadd.s32 $0xFFFFC000  }
0x40: {  	[spmem:s16] =	stream.linear.scatter [tilespmem:s17], [sflag:$0x1], $0x4000, $0x38;
	[tilespmem:$0x1D000] =	vst v63  }
0x41: {  	_ =	swait.ge [sflag:s18], $0x4000  }
0x42: {  	[sflag:s18] =	ssyncset.done $0x0  }
0x43: {  	s31 =	simm.s32 $0x0;
	[sflag:s18] =	ssyncadd.s32 $0xFFFFC000  }
0x44: {  	[tilespmem:s19], [sflag:$0x1] =	stream.linear.gather [hbm4b:s9+s31], $0x2780, $0x38;
	[tilespmem:$0x1D000] =	vst v63  }
0x45: {  	_ =	swait.ge [sflag:s18], $0x2780  }
0x46: {  	[sflag:s18] =	ssyncset.done $0x0  }
0x47: {  	[sflag:s18] =	ssyncadd.s32 $0xFFFFD880  }
0x48: {  	[tilespmem:s20], [sflag:$0x1] =	stream.linear.gather [hbm4b:s10+s31], $0x2780, $0x38;
	[tilespmem:$0x1D000] =	vst v63  }
.Ltmp3:
0x49: {  	_ =	swait.ge [sflag:s18], $0x2780;
	(pc) =	sbr.rel @!p0 .LBB2_4-.Ltmp3, $4  }
0x4a: {  	[sflag:s18] =	ssyncset.done $0x0  }
0x4b: {  	[sflag:s18] =	ssyncadd.s32 $0xFFFFD880  }
0x4c: {  	[bflag:$0x0] =	sbarrier.arrive $0xFFFF  }
0x4d: {  	s22 =	simm.s32 $0x14000  }
0x4e: {  	[tilespmem:s17], [sflag:$0x1] =	stream.indirect.gather [hbm4b:s6+s21], $0x80, s22, s21, $0xb8;
	[tilespmem:$0x1D000] =	vst v63  }
0x4f: {  	_ =	swait.ge [sflag:s18], $0x4000  }
0x50: {  	[sflag:s18] =	ssyncset.done $0x0  }
0x51: {  	s31 =	simm.s32 $0x16800;
	[sflag:s18] =	ssyncadd.s32 $0xFFFFC000  }
0x52: {  	[spmem:s3] =	stream.indirect.scatter.add.f32 [tilespmem:s17], [sflag:$0x1], $0x80, s31, s21, $0xb8;
	[tilespmem:$0x1D000] =	vst v63  }
0x53: {  	_ =	swait.ge [sflag:s18], $0x4000  }
0x54: {  	s23 =	simm.s32 $0x400;
	s22 =	simm.s32 $0x80;
	[sflag:s18] =	ssyncset.done $0x0  }
.LBB2_8:
0x55: {  	s24 =	sadd.s32 $0x14000, s22  }
0x56: {  	[sflag:s18] =	ssyncadd.s32 $0xFFFFC000;
	s25 =	smov.u32 s23;
	s26 =	sadd.s32 $0x200, s23  }
0x57: {  	[tilespmem:s17], [sflag:$0x1] =	stream.indirect.gather [hbm4b:s6+s21], $0x80, s24, s21, $0xb8;
	[tilespmem:$0x1D000] =	vst v63  }
0x58: {  	p1 =	sne.s32 s23, $0x9C00;
	_ =	swait.ge [sflag:s18], $0x4000  }
.Ltmp4:
0x59: {  	[sflag:s18] =	ssyncset.done $0x0;
	(pc) =	sbr.rel @p1 .LBB2_8-.Ltmp4, $4  }
0x5a: {  	s22 =	sadd.s32 $0x16800, s22;
	[sflag:s18] =	ssyncadd.s32 $0xFFFFC000  }
0x5b: {  	[spmem:s3] =	stream.indirect.scatter.add.f32 [tilespmem:s17], [sflag:$0x1], $0x80, s22, s21, $0xb8;
	[tilespmem:$0x1D000] =	vst v63  }
0x5c: {  	_ =	swait.ge [sflag:s18], $0x4000  }
0x5d: {  	s23 =	smov.u32 s26;
	s22 =	sshra.s32 s25, $0x2;
	[sflag:s18] =	ssyncset.done $0x0  }
0x5e: {  	s23 =	sadd.s32 $0x14000, s22;
	[sflag:s18] =	ssyncadd.s32 $0xFFFFC000  }
0x5f: {  	[tilespmem:s17], [sflag:$0x1] =	stream.indirect.gather [hbm4b:s6+s21], $0x80, s23, s21, $0xb8;
	[tilespmem:$0x1D000] =	vst v63  }
0x60: {  	_ =	swait.ge [sflag:s18], $0x4000  }
0x61: {  	[sflag:s18] =	ssyncset.done $0x0  }
.Ltmp5:
0x62: {  	s31 =	sadd.s32 $0x16800, s22;
	[sflag:s18] =	ssyncadd.s32 $0xFFFFC000;
	(pc) =	sbr.rel .LBB2_10-.Ltmp5, $4  }
0x63: {  	[spmem:s3] =	stream.indirect.scatter.add.f32 [tilespmem:s17], [sflag:$0x1], $0x80, s31, s21, $0xb8;
	[tilespmem:$0x1D000] =	vst v63  }
0x64: {  	_ =	swait.ge [sflag:s18], $0x4000  }
0x65: {  	[sflag:s18] =	ssyncset.done $0x0  }
0x66: {  	s22 =	smov.u32 s7;
	[sflag:s18] =	ssyncadd.s32 $0xFFFFC000  }
.LBB2_4:
0x67: {  	[tilespmem:s17], [sflag:$0x1] =	stream.indirect.gather [hbm4b:s5+s21], $0x80, s22, s21, $0xb8;
	[tilespmem:$0x1D000] =	vst v63  }
0x68: {  	_ =	swait.ge [sflag:s18], $0x4000  }
0x69: {  	[sflag:s18] =	ssyncset.done $0x0  }
0x6a: {  	s31 =	simm.s32 $0x16800;
	[sflag:s18] =	ssyncadd.s32 $0xFFFFC000  }
0x6b: {  	[spmem:s3] =	stream.indirect.scatter.add.f32 [tilespmem:s17], [sflag:$0x1], $0x80, s31, s21, $0xb8;
	[tilespmem:$0x1D000] =	vst v63  }
0x6c: {  	_ =	swait.ge [sflag:s18], $0x4000  }
0x6d: {  	s23 =	simm.s32 $0x400;
	s22 =	simm.s32 $0x80;
	[sflag:s18] =	ssyncset.done $0x0  }
.LBB2_5:
0x6e: {  	s24 =	sadd.s32 $0x14000, s22  }
0x6f: {  	[sflag:s18] =	ssyncadd.s32 $0xFFFFC000;
	s25 =	smov.u32 s23;
	s26 =	sadd.s32 $0x200, s23  }
0x70: {  	[tilespmem:s17], [sflag:$0x1] =	stream.indirect.gather [hbm4b:s5+s21], $0x80, s24, s21, $0xb8;
	[tilespmem:$0x1D000] =	vst v63  }
0x71: {  	p1 =	seq.s32 s23, $0x9C00;
	_ =	swait.ge [sflag:s18], $0x4000  }
.Ltmp6:
0x72: {  	[sflag:s18] =	ssyncset.done $0x0;
	(pc) =	sbr.rel @!p1 .LBB2_5-.Ltmp6, $4  }
0x73: {  	s22 =	sadd.s32 $0x16800, s22;
	[sflag:s18] =	ssyncadd.s32 $0xFFFFC000  }
0x74: {  	[spmem:s3] =	stream.indirect.scatter.add.f32 [tilespmem:s17], [sflag:$0x1], $0x80, s22, s21, $0xb8;
	[tilespmem:$0x1D000] =	vst v63  }
0x75: {  	_ =	swait.ge [sflag:s18], $0x4000  }
0x76: {  	s23 =	smov.u32 s26;
	s22 =	sshra.s32 s25, $0x2;
	[sflag:s18] =	ssyncset.done $0x0  }
.Ltmp7:
0x77: {  	_ = 	snop;
	(pc) =	sbr.rel .LBB2_6-.Ltmp7, $1  }
0x78: {  	_ =	sdelay $0x3  }
.LBB2_11:
0x79: {  	_ =	sfence.sel $0x180000  }
0x7a: {  	[bflag:$0x0] =	sbarrier.arrive $0xFFFF  }
0x7b: {  	p0 =	sne.s32 s2, $0x0;
	_ =	strace $0x9000004A  }
0x7c: {  	s0 =	sadd.s32 @!p0 $0x100000, s0;
	[bflag:$0x2] =	sbarrier.arrive $0xFFFF  }
0x7d: {  	[sflag:s0] =	ssyncadd.tile.s32 @!p0 $0x1;
	_ =	shalt  }
.Lfunc_end2:
_tile_overlayer_lowered:
.L_overlay_start_2:
0x7e: {  	(tag) =	ssettag $0x2  }
0x7f: {  	s0 =	rddreg [dreg:$0x0];
	s2 =	stileid.u32  }
0x80: {  	s1 =	rddreg [dreg:$0x1];
	p0 =	sne.s32 s2, $0x0  }
0x81: {  	s3 =	rddreg [dreg:$0x2];
	[bflag:$0x3] =	sbarrier.arrive $0xFFFF;
	s2 =	simm.s32 @!p0 $0x1C01  }
0x82: {  	[timem:s3], [sflag:s2] =	dma.local @!p0 [hbm:s0], s1  }
0x83: {  	s0 =	simm.s32 @!p0 $0x1  }
0x84: {  	_ =	swait.ge @!p0 [sflag:s0], s1  }
0x85: {  	s1 =	ssub.s32 @!p0 $0x0, s1;
	[sflag:s0] =	ssyncset.done @!p0 $0x0  }
0x86: {  	[sflag:s0] =	ssyncadd.s32 @!p0 s1  }
0x87: {  	[bflag:$0x3] =	sbarrier.arrive $0xFFFF  }
0x88: {  	_ =	shalt  }

// kernel: kernel.14.cloned.1.call-start
scs
__scs_entry_jumppad:
0x0: {  	(pc) =	sbr.rel $0x88, $3  }
0x1: {  	(tag) =	ssettag $0x0;
	lr =	simm.s32 $0x1  }
0x2: {  	[smem:$0x3F9A] =	sst lr;
	_ =	strace $0xD0000000  }
0x3: {  	_ = 	snop  }
0x4: {  	_ = 	snop  }
0x5: {  	_ = 	snop  }
0x6: {  	_ = 	snop  }
0x7: {  	_ = 	snop  }
__scs_overlays_trampoline_lowered:
0x8: {  	[smem:$0x3FA9] =	sst s0  }
0x9: {  	[smem:$0x3FAA] =	sst s1  }
0xa: {  	[smem:$0x3FAB] =	sst s2  }
0xb: {  	[smem:$0x3FAC] =	sst s3  }
0xc: {  	[smem:$0x3FAD] =	sst s4  }
0xd: {  	[smem:$0x3FAE] =	sst s5  }
0xe: {  	[smem:$0x3FAF] =	sst s6  }
0xf: {  	[smem:$0x3FB0] =	sst s7  }
0x10: {  	[smem:$0x3FB1] =	sst s8  }
0x11: {  	[smem:$0x3FB2] =	sst s9;
	s0 =	simm.s32 @!p0 $0x0  }
0x12: {  	s1 =	sld [smem:$0x3F98];
	s0 =	simm.s32 @p0 $0x1  }
0x13: {  	[smem:$0x3FB3] =	sst s0;
	s0 =	simm.s32 @!p1 $0x0  }
0x14: {  	s2 =	sld [smem:$0x3F97];
	s0 =	simm.s32 @p1 $0x1  }
0x15: {  	[smem:$0x3FB4] =	sst s0;
	s0 =	simm.s32 @!p2 $0x0  }
0x16: {  	s3 =	sld [smem:$0x3FDB];
	s0 =	simm.s32 @p2 $0x1  }
0x17: {  	s4 =	simm.s32 $0x1BF5;
	[smem:$0x3FB6] =	sst s0  }
0x18: {  	s0 =	sld [smem:$0x3F99];
	_ =	swait.ge [sflag:s4], $0x0  }
0x19: {  	s7 =	sld [smem:$0x3F9A]  }
0x1a: {  	s8 =	sadd.s32 $0xFFFFE003, lr  }
0x1b: {  	s9 =	sadd.s32 $0xFFFFFEF7, lr;
	s5 =	simm.s32 $0xFFFFFFFF;
	p2 =	slt.u32 s8, $0xFFFFF086  }
0x1c: {  	p1 =	slt.u32 s9, $0xF7A;
	s5 =	simm.s32 @!p2 $0x0  }
0x1d: {  	s5 =	simm.s32 @p1 $0x1;
	p0 =	seq.s32 s7, s2  }
0x1e: {  	s7 =	smul.u32 @!p0 $0xF7A, s2;
	p2 =	seq.s32 @!p0 s5, $0x0  }
0x1f: {  	s9 =	smul.u32 $0xF7A, s1;
	s8 =	simm.s32 @!p0 $0x1BF5;
	p2 =	por !p2, p0  }
0x20: {  	[sflag:s8] =	ssyncset.s32 @!p0 $0xFFFFF086;
	s6 =	sadd.s32 @!p0 s3, s7;
	s7 =	simm.s32 @!p0 $0x108  }
0x21: {  	s3 =	sadd.s32 s3, s9;
	s6 =	sadd.s32 @!p0 $0x88, s6;
	s7 =	simm.s32 @p2 $0x1082  }
0x22: {  	[simem:s7], [sflag:s8] =	dma.local @!p0 [hbm:s6], $0xF7A  }
0x23: {  	s9 =	sor.u32 $0xD0000000, s2;
	s6 =	simm.s32 $0x108;
	_ =	swait.ge @!p0 [sflag:s8], $0x0  }
0x24: {  	s3 =	sadd.s32 $0x88, s3;
	s6 =	simm.s32 @!p1 $0x1082;
	[sflag:s4] =	ssyncset.s32 $0xFFFFF086  }
0x25: {  	[simem:s6], [sflag:s4] =	dma.local [hbm:s3], $0xF7A  }
0x26: {  	[smem:$0x3F9A] =	sst s1;
	(tag) =	ssettag s2;
	_ =	strace s9  }
0x27: {  	s1 =	sld [smem:$0x3FAA]  }
0x28: {  	s2 =	sld [smem:$0x3FAB]  }
0x29: {  	s4 =	sld [smem:$0x3FAD]  }
0x2a: {  	p0 =	seq.s32 s5, $0x0;
	s5 =	sld [smem:$0x3FAE]  }
0x2b: {  	s6 =	sld [smem:$0x3FAF]  }
0x2c: {  	s7 =	sld [smem:$0x3FB0]  }
0x2d: {  	s3 =	simm.s32 $0x108;
	s8 =	sld [smem:$0x3FB1]  }
0x2e: {  	s3 =	simm.s32 @!p0 $0x1082;
	s9 =	sld [smem:$0x3FB2]  }
0x2f: {  	lr =	sadd.s32 s0, s3;
	s0 =	sld [smem:$0x3FA9]  }
0x30: {  	s3 =	sld [smem:$0x3FAC]  }
0x31: {  	[smem:$0x3FB5] =	sst s10  }
0x32: {  	s10 =	sld [smem:$0x3FB3];
	_ =	sdelay $0x3  }
0x33: {  	p0 =	seq.s32 s10, $0x1;
	s10 =	sld [smem:$0x3FB5];
	_ =	sdelay $0x3  }
0x34: {  	[smem:$0x3FB5] =	sst s10  }
0x35: {  	s10 =	sld [smem:$0x3FB4];
	_ =	sdelay $0x3  }
0x36: {  	p1 =	seq.s32 s10, $0x1;
	s10 =	sld [smem:$0x3FB5];
	_ =	sdelay $0x3  }
0x37: {  	[smem:$0x3FB5] =	sst s10  }
0x38: {  	s10 =	sld [smem:$0x3FB6]  }
0x39: {  	_ = 	snop;
	(pc) =	sbr.ind lr, $3  }
0x3a: {  	_ = 	snop  }
0x3b: {  	_ = 	snop  }
0x3c: {  	p2 =	seq.s32 s10, $0x1;
	s10 =	sld [smem:$0x3FB5]  }
0x3d: {  	_ =	shalt  }
0x3e: {  	_ =	shalt  }
0x3f: {  	_ =	shalt  }
0x40: {  	_ =	shalt  }
0x41: {  	_ =	shalt  }
0x42: {  	_ =	shalt  }
0x43: {  	_ =	shalt  }
0x44: {  	_ =	shalt  }
0x45: {  	_ =	shalt  }
0x46: {  	_ =	shalt  }
0x47: {  	_ =	shalt  }
0x48: {  	_ =	shalt  }
0x49: {  	_ =	shalt  }
0x4a: {  	_ =	shalt  }
0x4b: {  	_ =	shalt  }
0x4c: {  	_ =	shalt  }
0x4d: {  	_ =	shalt  }
0x4e: {  	_ =	shalt  }
0x4f: {  	_ =	shalt  }
0x50: {  	_ =	shalt  }
0x51: {  	_ =	shalt  }
0x52: {  	_ =	shalt  }
0x53: {  	_ =	shalt  }
0x54: {  	_ =	shalt  }
0x55: {  	_ =	shalt  }
0x56: {  	_ =	shalt  }
0x57: {  	_ =	shalt  }
0x58: {  	_ =	shalt  }
0x59: {  	_ =	shalt  }
0x5a: {  	_ =	shalt  }
0x5b: {  	_ =	shalt  }
0x5c: {  	_ =	shalt  }
0x5d: {  	_ =	shalt  }
0x5e: {  	_ =	shalt  }
0x5f: {  	_ =	shalt  }
0x60: {  	_ =	shalt  }
0x61: {  	_ =	shalt  }
0x62: {  	_ =	shalt  }
0x63: {  	_ =	shalt  }
0x64: {  	_ =	shalt  }
0x65: {  	_ =	shalt  }
0x66: {  	_ =	shalt  }
0x67: {  	_ =	shalt  }
0x68: {  	_ =	shalt  }
0x69: {  	_ =	shalt  }
0x6a: {  	_ =	shalt  }
0x6b: {  	_ =	shalt  }
0x6c: {  	_ =	shalt  }
0x6d: {  	_ =	shalt  }
0x6e: {  	_ =	shalt  }
0x6f: {  	_ =	shalt  }
0x70: {  	_ =	shalt  }
0x71: {  	_ =	shalt  }
0x72: {  	_ =	shalt  }
0x73: {  	_ =	shalt  }
0x74: {  	_ =	shalt  }
0x75: {  	_ =	shalt  }
0x76: {  	_ =	shalt  }
0x77: {  	_ =	shalt  }
0x78: {  	_ =	shalt  }
0x79: {  	_ =	shalt  }
0x7a: {  	_ =	shalt  }
0x7b: {  	_ =	shalt  }
0x7c: {  	_ =	shalt  }
0x7d: {  	_ =	shalt  }
0x7e: {  	_ =	shalt  }
0x7f: {  	_ =	shalt  }
0x80: {  	_ =	shalt  }
0x81: {  	_ =	shalt  }
0x82: {  	_ =	shalt  }
0x83: {  	_ =	shalt  }
0x84: {  	_ =	shalt  }
0x85: {  	_ =	shalt  }
0x86: {  	_ =	shalt  }
0x87: {  	_ =	shalt  }
.Lfunc_end0:
.L_simem_size_0:
called_computation.2_lowered:
.L_overlay_start_0:
0x88: {  	s2 =	sld [smem:$0x3FD9]  }
0x89: {  	s3 =	sld [smem:$0x3FFE];
	_ =	sdelay $0x1  }
0x8a: {  	s1 =	srdreg.scid  }
0x8b: {  	s0 =	sand.u32 $0x1, s1  }
0x8c: {  	s17 =	sshll.u32 s0, $0xA;
	s2 =	sadd.s32 s3, s2  }
0x8d: {  	s2 =	sadd.s32 s2, s17  }
0x8e: {  	[smem:$0x3FC1] =	sst s2  }
0x8f: {  	_ = 	snop  }
0x90: {  	s2 =	sld [smem:$0x3FD0];
	(tm) =	ssettm $0x1  }
0x91: {  	s18 =	sld [smem:$0x3FFB];
	_ =	sdelay $0x3  }
0x92: {  	_ =	strace s18  }
0x93: {  	s3 =	sld [smem:$0x3FFC];
	_ =	sdelay $0x3  }
0x94: {  	_ =	strace s3  }
0x95: {  	s3 =	sld [smem:$0x3FFD];
	_ =	sdelay $0x3  }
0x96: {  	_ =	strace s3  }
0x97: {  	_ =	strace $0x8FFFFFFF  }
0x98: {  	s19 =	sld [smem:$0x3FDB];
	_ =	sdelay $0x1  }
0x99: {  	s4 =	simm.s32 $_scs_section_size  }
0x9a: {  	s5 =	simm.s32 $_size__tile_overlayer_lowered;
	s6 =	simm.s32 $_tile_overlayer_lowered  }
0x9b: {  	s22 =	simm.s32 $0x1BFF;
	s21 =	sshll.u32 s6, $0x1;
	s3 =	sadd.s32 s4, s19  }
0x9c: {  	s7 =	simm.s32 $0x0;
	s20 =	sshll.u32 s5, $0x1;
	s5 =	sadd.s32 s21, s3  }
0x9d: {  	[timem:s7], [sflag:s22] =	dma.local [hbm:s5], s20  }
0x9e: {  	_ =	swait.ge [sflag:s22], s20  }
0x9f: {  	s4 =	ssub.s32 $0x0, s20;
	[sflag:s22] =	ssyncset.done $0x0  }
0xa0: {  	[sflag:s22] =	ssyncadd.s32 s4;
	_ =	sdelay $0x1  }
0xa1: {  	s23 =	simm.s32 $0x1B8B  }
0xa2: {  	_ =	swait.ge [sflag:s23], $0x1  }
0xa3: {  	[sflag:s23] =	ssyncset.done $0x0  }
0xa4: {  	s25 =	simm.s32 $0x1B8E;
	s24 =	sld [smem:$0x3FFE];
	[sflag:s23] =	ssyncadd.s32 $0xFFFFFFFF  }
0xa5: {  	s26 =	simm.s32 $execute0_lowered;
	[smem:$0x3FD2] =	sst s25  }
0xa6: {  	s5 =	sshll.u32 s26, $0x1;
	_ =	strace $0x8000004C;
	[dreg:$0x1] =	wrdreg $0xFFFFFFFF  }
0xa7: {  	s28 =	simm.s32 $_size_execute0_lowered;
	s3 =	sadd.s32 s3, s5;
	[dreg:$0x0] =	wrdreg $0x0  }
0xa8: {  	s5 =	sshll.u32 s28, $0x1;
	[dreg:$0x2] =	wrdreg s3  }
0xa9: {  	[dreg:$0x3] =	wrdreg s5  }
0xaa: {  	[dreg:$0x4] =	wrdreg $0xC0  }
0xab: {  	_ =	task [dreg:s7], $0x5FFFF  }
0xac: {  	[dreg:$0x1] =	wrdreg $0xFFFFFFFF  }
0xad: {  	[dreg:$0x0] =	wrdreg $0x60  }
0xae: {  	[dreg:$0x2] =	wrdreg s24  }
0xaf: {  	[dreg:$0x3] =	wrdreg s2  }
0xb0: {  	[dreg:$0x4] =	wrdreg $0x0  }
0xb1: {  	[dreg:$0x5] =	wrdreg $0x9  }
0xb2: {  	_ =	task.clear_ibuf [dreg:s7], $0x6FFFF;
	_ =	strace $0x9000004C  }
0xb3: {  	s29 =	simm.s32 $0x9;
	_ =	strace $0x8000004E  }
0xb4: {  	_ =	swait.ge [sflag:s29], $0x1  }
0xb5: {  	[sflag:s29] =	ssyncadd.s32 $0xFFFFFFFF  }
0xb6: {  	_ =	strace $0x9000004E  }
0xb7: {  	_ =	sfence  }
0xb8: {  	s30 =	sld [smem:$0x0];
	_ =	sdelay $0x2  }
0xb9: {  	s31 =	sshll.u32 s1, $0xD;
	s1 =	sshrl.u32 s1, $0x2  }
0xba: {  	s3 =	sand.u32 $0x4000, s31;
	s1 =	sadd.s32 s1, s30  }
0xbb: {  	s0 =	sor.u32 s3, s0;
	s1 =	sshll.u32 s1, $0x11  }
0xbc: {  	s0 =	sor.u32 s1, s0  }
0xbd: {  	s0 =	sadd.s32 $0x8F2B, s0  }
0xbe: {  	[sflag:s0] =	ssyncadd.remote.s32 $0x1  }
0xbf: {  	_ =	sfence.sel $0xFFFF  }
0xc0: {  	[dreg:$0x0] =	wrdreg $0xFFFFFFFF;
	(pc) =	sbr.abs _section_cstart, $3  }
0xc1: {  	[dreg:$0x1] =	wrdreg $0xFFFFFFFF  }
0xc2: {  	_ =	task.clear_ibuf [dreg:s7], $0x2FFFF;
	_ =	strace $0x9FFFFFFF  }
0xc3: {  	(tm) =	ssettm $0x7FFFFFFF  }
tec
execute0_lowered:
.L_overlay_start_1:
0x0: {  	(tag) =	ssettag $0x1  }
0x1: {  	s7 =	rddreg [dreg:$0x0]  }
0x2: {  	s1 =	rddreg [dreg:$0x1]  }
0x3: {  	s3 =	rddreg [dreg:$0x2]  }
0x4: {  	s0 =	rddreg [dreg:$0x3];
	s4 =	simm.s32 $0x0;
	s2 =	stileid.u32  }
0x5: {  	s5 =	srdreg.scid;
	s17 =	simm.s32 $0x19000;
	s18 =	simm.s32 $0x1  }
0x6: {  	s19 =	simm.s32 $0x14000;
	s20 =	simm.s32 $0x16800;
	s21 =	simm.s32 $0x80  }
0x7: {  	[smem:$0x7FF] =	sst s4;
	s8 =	smul.u32 $0x500, s2;
	s9 =	sand.u32 $0x1, s5  }
0x8: {  	s5 =	sadd.s32 $0xF400, s7;
	s11 =	smul.u32 $0x50000, s2;
	s6 =	sadd.s32 $0x36600, s7  }
0x9: {  	_ =	strace $0x8000004D;
	s10 =	ssub.s32 $0x2, s9;
	p0 =	seq.s32 s9, $0x1  }
.Ltmp0:
0xa: {  	s12 =	sadd.s32 s8, s7;
	s30 =	sshrl.u32 s10, $0x1;
	(pc) =	sbr.rel .LBB2_1-.Ltmp0, $4  }
0xb: {  	s7 =	sadd.s32 $0x5D800, s7;
	s31 =	sshrl.u32 s11, $0x2;
	s11 =	smul.u32 $0x2800, s2  }
0xc: {  	s13 =	ssub.s32 s10, s30;
	s8 =	sadd.s32 s31, s3;
	s9 =	sadd.s32 $0xA400, s12  }
0xd: {  	s10 =	sadd.s32 $0x4800, s12;
	s12 =	smax.u32 s13, $0x1;
	s13 =	sadd.s32 $0x4000, s8  }
0xe: {  	v0 =	vimm.f32 $0.0e+00;
	s14 =	sadd.s32 $0x8000, s8;
	s15 =	sadd.s32 $0xC000, s8;
	s16 =	sadd.s32 $0x10000, s8  }
.LBB2_6:
0xf: {  	s23 =	sadd.s32 $0x14000, s22;
	[sflag:s18] =	ssyncadd.s32 $0xFFFFC000  }
0x10: {  	[tilespmem:s17], [sflag:$0x1] =	stream.indirect.gather [hbm4b:s5+s21], $0x80, s23, s21, $0xb8;
	[tilespmem:$0x1D000] =	vst v63  }
0x11: {  	_ =	swait.ge [sflag:s18], $0x4000  }
0x12: {  	[sflag:s18] =	ssyncset.done $0x0  }
0x13: {  	s31 =	sadd.s32 $0x16800, s22;
	[sflag:s18] =	ssyncadd.s32 $0xFFFFC000  }
0x14: {  	[spmem:s3] =	stream.indirect.scatter.add.f32 [tilespmem:s17], [sflag:$0x1], $0x80, s31, s21, $0xb8;
	[tilespmem:$0x1D000] =	vst v63  }
0x15: {  	_ =	swait.ge [sflag:s18], $0x4000  }
0x16: {  	[sflag:s18] =	ssyncset.done $0x0  }
0x17: {  	s22 =	smov.u32 s1;
	[sflag:s18] =	ssyncadd.s32 $0xFFFFC000  }
.LBB2_10:
0x18: {  	s22 =	sadd.s32 s22, s11;
	s4 =	sadd.s32 $0x1, s4  }
0x19: {  	s23 =	sshll.u32 s2, $0x6;
	[bflag:$0x0] =	sbarrier.arrive $0xFFFF;
	p1 =	sne.s32 s4, s12  }
.Ltmp1:
0x1a: {  	s24 =	sshrl.u32 s8, $0x3;
	s23 =	sor.u32 $0x1C01, s23;
	(pc) =	sbr.rel @!p1 .LBB2_11-.Ltmp1, $4  }
0x1b: {  	[hbm:s22], [sflag:s23] =	dma.local [spmem:s24], $0x2800  }
0x1c: {  	_ =	swait.ge [sflag:s18], $0x2800  }
0x1d: {  	[sflag:s18] =	ssyncset.done $0x0  }
0x1e: {  	[sflag:s18] =	ssyncadd.s32 $0xFFFFD800  }
.LBB2_1:
0x1f: {  	s22 =	simm.s32 $0x0;
	s23 =	simm.s32 $0x200  }
.LBB2_2:
0x20: {  	p1 =	sne.s32 s23, $0xFE00;
	[tilespmem:s22+$0x19070] =	vst v0  }
0x21: {  	[tilespmem:s22+$0x19000] =	vst v0  }
0x22: {  	[tilespmem:s22+$0x19010] =	vst v0  }
.Ltmp2:
0x23: {  	[tilespmem:s22+$0x19020] =	vst v0;
	(pc) =	sbr.rel @p1 .LBB2_2-.Ltmp2, $4  }
0x24: {  	[tilespmem:s22+$0x19030] =	vst v0  }
0x25: {  	[tilespmem:s22+$0x19040] =	vst v0  }
0x26: {  	[tilespmem:s22+$0x19050] =	vst v0  }
0x27: {  	[tilespmem:s22+$0x19060] =	vst v0;
	s22 =	sshra.s32 s23, $0x2;
	s23 =	sadd.s32 $0x200, s23  }
0x28: {  	[tilespmem:s22+$0x19070] =	vst v0  }
0x29: {  	[tilespmem:s22+$0x19000] =	vst v0  }
0x2a: {  	[tilespmem:s22+$0x19010] =	vst v0  }
0x2b: {  	[tilespmem:s22+$0x19020] =	vst v0  }
0x2c: {  	[tilespmem:s22+$0x19030] =	vst v0  }
0x2d: {  	[tilespmem:s22+$0x19040] =	vst v0  }
0x2e: {  	[tilespmem:s22+$0x19050] =	vst v0  }
0x2f: {  	[tilespmem:s22+$0x19060] =	vst v0  }
0x30: {  	[spmem:s8] =	stream.linear.scatter [tilespmem:s17], [sflag:$0x1], $0x4000, $0x38;
	[tilespmem:$0x1D000] =	vst v63  }
0x31: {  	_ =	swait.ge [sflag:s18], $0x4000  }
0x32: {  	[sflag:s18] =	ssyncset.done $0x0  }
0x33: {  	[sflag:s18] =	ssyncadd.s32 $0xFFFFC000  }
0x34: {  	[spmem:s13] =	stream.linear.scatter [tilespmem:s17], [sflag:$0x1], $0x4000, $0x38;
	[tilespmem:$0x1D000] =	vst v63  }
0x35: {  	_ =	swait.ge [sflag:s18], $0x4000  }
0x36: {  	[sflag:s18] =	ssyncset.done $0x0  }
0x37: {  	[sflag:s18] =	ssyncadd.s32 $0xFFFFC000  }
0x38: {  	[spmem:s14] =	stream.linear.scatter [tilespmem:s17], [sflag:$0x1], $0x4000, $0x38;
	[tilespmem:$0x1D000] =	vst v63  }
0x39: {  	_ =	swait.ge [sflag:s18], $0x4000  }
0x3a: {  	[sflag:s18] =	ssyncset.done $0x0  }
0x3b: {  	[sflag:s18] =	ssyncadd.s32 $0xFFFFC000  }
0x3c: {  	[spmem:s15] =	stream.linear.scatter [tilespmem:s17], [sflag:$0x1], $0x4000, $0x38;
	[tilespmem:$0x1D000] =	vst v63  }
0x3d: {  	_ =	swait.ge [sflag:s18], $0x4000  }
0x3e: {  	[sflag:s18] =	ssyncset.done $0x0  }
0x3f: {  	[sflag:s18] =	ssyncadd.s32 $0xFFFFC000  }
0x40: {  	[spmem:s16] =	stream.linear.scatter [tilespmem:s17], [sflag:$0x1], $0x4000, $0x38;
	[tilespmem:$0x1D000] =	vst v63  }
0x41: {  	_ =	swait.ge [sflag:s18], $0x4000  }
0x42: {  	[sflag:s18] =	ssyncset.done $0x0  }
0x43: {  	s31 =	simm.s32 $0x0;
	[sflag:s18] =	ssyncadd.s32 $0xFFFFC000  }
0x44: {  	[tilespmem:s19], [sflag:$0x1] =	stream.linear.gather [hbm4b:s9+s31], $0x2780, $0x38;
	[tilespmem:$0x1D000] =	vst v63  }
0x45: {  	_ =	swait.ge [sflag:s18], $0x2780  }
0x46: {  	[sflag:s18] =	ssyncset.done $0x0  }
0x47: {  	[sflag:s18] =	ssyncadd.s32 $0xFFFFD880  }
0x48: {  	[tilespmem:s20], [sflag:$0x1] =	stream.linear.gather [hbm4b:s10+s31], $0x2780, $0x38;
	[tilespmem:$0x1D000] =	vst v63  }
.Ltmp3:
0x49: {  	_ =	swait.ge [sflag:s18], $0x2780;
	(pc) =	sbr.rel @!p0 .LBB2_4-.Ltmp3, $4  }
0x4a: {  	[sflag:s18] =	ssyncset.done $0x0  }
0x4b: {  	[sflag:s18] =	ssyncadd.s32 $0xFFFFD880  }
0x4c: {  	[bflag:$0x0] =	sbarrier.arrive $0xFFFF  }
0x4d: {  	s22 =	simm.s32 $0x14000  }
0x4e: {  	[tilespmem:s17], [sflag:$0x1] =	stream.indirect.gather [hbm4b:s6+s21], $0x80, s22, s21, $0xb8;
	[tilespmem:$0x1D000] =	vst v63  }
0x4f: {  	_ =	swait.ge [sflag:s18], $0x4000  }
0x50: {  	[sflag:s18] =	ssyncset.done $0x0  }
0x51: {  	s31 =	simm.s32 $0x16800;
	[sflag:s18] =	ssyncadd.s32 $0xFFFFC000  }
0x52: {  	[spmem:s3] =	stream.indirect.scatter.add.f32 [tilespmem:s17], [sflag:$0x1], $0x80, s31, s21, $0xb8;
	[tilespmem:$0x1D000] =	vst v63  }
0x53: {  	_ =	swait.ge [sflag:s18], $0x4000  }
0x54: {  	s23 =	simm.s32 $0x400;
	s22 =	simm.s32 $0x80;
	[sflag:s18] =	ssyncset.done $0x0  }
.LBB2_8:
0x55: {  	s24 =	sadd.s32 $0x14000, s22  }
0x56: {  	[sflag:s18] =	ssyncadd.s32 $0xFFFFC000;
	s25 =	smov.u32 s23;
	s26 =	sadd.s32 $0x200, s23  }
0x57: {  	[tilespmem:s17], [sflag:$0x1] =	stream.indirect.gather [hbm4b:s6+s21], $0x80, s24, s21, $0xb8;
	[tilespmem:$0x1D000] =	vst v63  }
0x58: {  	p1 =	sne.s32 s23, $0x9C00;
	_ =	swait.ge [sflag:s18], $0x4000  }
.Ltmp4:
0x59: {  	[sflag:s18] =	ssyncset.done $0x0;
	(pc) =	sbr.rel @p1 .LBB2_8-.Ltmp4, $4  }
0x5a: {  	s22 =	sadd.s32 $0x16800, s22;
	[sflag:s18] =	ssyncadd.s32 $0xFFFFC000  }
0x5b: {  	[spmem:s3] =	stream.indirect.scatter.add.f32 [tilespmem:s17], [sflag:$0x1], $0x80, s22, s21, $0xb8;
	[tilespmem:$0x1D000] =	vst v63  }
0x5c: {  	_ =	swait.ge [sflag:s18], $0x4000  }
0x5d: {  	s23 =	smov.u32 s26;
	s22 =	sshra.s32 s25, $0x2;
	[sflag:s18] =	ssyncset.done $0x0  }
0x5e: {  	s23 =	sadd.s32 $0x14000, s22;
	[sflag:s18] =	ssyncadd.s32 $0xFFFFC000  }
0x5f: {  	[tilespmem:s17], [sflag:$0x1] =	stream.indirect.gather [hbm4b:s6+s21], $0x80, s23, s21, $0xb8;
	[tilespmem:$0x1D000] =	vst v63  }
0x60: {  	_ =	swait.ge [sflag:s18], $0x4000  }
0x61: {  	[sflag:s18] =	ssyncset.done $0x0  }
.Ltmp5:
0x62: {  	s31 =	sadd.s32 $0x16800, s22;
	[sflag:s18] =	ssyncadd.s32 $0xFFFFC000;
	(pc) =	sbr.rel .LBB2_10-.Ltmp5, $4  }
0x63: {  	[spmem:s3] =	stream.indirect.scatter.add.f32 [tilespmem:s17], [sflag:$0x1], $0x80, s31, s21, $0xb8;
	[tilespmem:$0x1D000] =	vst v63  }
0x64: {  	_ =	swait.ge [sflag:s18], $0x4000  }
0x65: {  	[sflag:s18] =	ssyncset.done $0x0  }
0x66: {  	s22 =	smov.u32 s7;
	[sflag:s18] =	ssyncadd.s32 $0xFFFFC000  }
.LBB2_4:
0x67: {  	[tilespmem:s17], [sflag:$0x1] =	stream.indirect.gather [hbm4b:s5+s21], $0x80, s22, s21, $0xb8;
	[tilespmem:$0x1D000] =	vst v63  }
0x68: {  	_ =	swait.ge [sflag:s18], $0x4000  }
0x69: {  	[sflag:s18] =	ssyncset.done $0x0  }
0x6a: {  	s31 =	simm.s32 $0x16800;
	[sflag:s18] =	ssyncadd.s32 $0xFFFFC000  }
0x6b: {  	[spmem:s3] =	stream.indirect.scatter.add.f32 [tilespmem:s17], [sflag:$0x1], $0x80, s31, s21, $0xb8;
	[tilespmem:$0x1D000] =	vst v63  }
0x6c: {  	_ =	swait.ge [sflag:s18], $0x4000  }
0x6d: {  	s23 =	simm.s32 $0x400;
	s22 =	simm.s32 $0x80;
	[sflag:s18] =	ssyncset.done $0x0  }
.LBB2_5:
0x6e: {  	s24 =	sadd.s32 $0x14000, s22  }
0x6f: {  	[sflag:s18] =	ssyncadd.s32 $0xFFFFC000;
	s25 =	smov.u32 s23;
	s26 =	sadd.s32 $0x200, s23  }
0x70: {  	[tilespmem:s17], [sflag:$0x1] =	stream.indirect.gather [hbm4b:s5+s21], $0x80, s24, s21, $0xb8;
	[tilespmem:$0x1D000] =	vst v63  }
0x71: {  	p1 =	seq.s32 s23, $0x9C00;
	_ =	swait.ge [sflag:s18], $0x4000  }
.Ltmp6:
0x72: {  	[sflag:s18] =	ssyncset.done $0x0;
	(pc) =	sbr.rel @!p1 .LBB2_5-.Ltmp6, $4  }
0x73: {  	s22 =	sadd.s32 $0x16800, s22;
	[sflag:s18] =	ssyncadd.s32 $0xFFFFC000  }
0x74: {  	[spmem:s3] =	stream.indirect.scatter.add.f32 [tilespmem:s17], [sflag:$0x1], $0x80, s22, s21, $0xb8;
	[tilespmem:$0x1D000] =	vst v63  }
0x75: {  	_ =	swait.ge [sflag:s18], $0x4000  }
0x76: {  	s23 =	smov.u32 s26;
	s22 =	sshra.s32 s25, $0x2;
	[sflag:s18] =	ssyncset.done $0x0  }
.Ltmp7:
0x77: {  	_ = 	snop;
	(pc) =	sbr.rel .LBB2_6-.Ltmp7, $1  }
0x78: {  	_ =	sdelay $0x3  }
.LBB2_11:
0x79: {  	_ =	sfence.sel $0x180000  }
0x7a: {  	[bflag:$0x0] =	sbarrier.arrive $0xFFFF  }
0x7b: {  	p0 =	sne.s32 s2, $0x0;
	_ =	strace $0x9000004D  }
0x7c: {  	s0 =	sadd.s32 @!p0 $0x100000, s0;
	[bflag:$0x2] =	sbarrier.arrive $0xFFFF  }
0x7d: {  	[sflag:s0] =	ssyncadd.tile.s32 @!p0 $0x1;
	_ =	shalt  }
.Lfunc_end2:
_tile_overlayer_lowered:
.L_overlay_start_2:
0x7e: {  	(tag) =	ssettag $0x2  }
0x7f: {  	s0 =	rddreg [dreg:$0x0];
	s2 =	stileid.u32  }
0x80: {  	s1 =	rddreg [dreg:$0x1];
	p0 =	sne.s32 s2, $0x0  }
0x81: {  	s3 =	rddreg [dreg:$0x2];
	[bflag:$0x3] =	sbarrier.arrive $0xFFFF;
	s2 =	simm.s32 @!p0 $0x1C01  }
0x82: {  	[timem:s3], [sflag:s2] =	dma.local @!p0 [hbm:s0], s1  }
0x83: {  	s0 =	simm.s32 @!p0 $0x1  }
0x84: {  	_ =	swait.ge @!p0 [sflag:s0], s1  }
0x85: {  	s1 =	ssub.s32 @!p0 $0x0, s1;
	[sflag:s0] =	ssyncset.done @!p0 $0x0  }
0x86: {  	[sflag:s0] =	ssyncadd.s32 @!p0 s1  }
0x87: {  	[bflag:$0x3] =	sbarrier.arrive $0xFFFF  }
0x88: {  	_ =	shalt  }

// kernel: kernel.8.cloned.1.call-start
scs
__scs_entry_jumppad:
0x0: {  	(pc) =	sbr.rel $0x88, $3  }
0x1: {  	(tag) =	ssettag $0x0;
	lr =	simm.s32 $0x1  }
0x2: {  	[smem:$0x3F9A] =	sst lr;
	_ =	strace $0xD0000000  }
0x3: {  	_ = 	snop  }
0x4: {  	_ = 	snop  }
0x5: {  	_ = 	snop  }
0x6: {  	_ = 	snop  }
0x7: {  	_ = 	snop  }
__scs_overlays_trampoline_lowered:
0x8: {  	[smem:$0x3FA9] =	sst s0  }
0x9: {  	[smem:$0x3FAA] =	sst s1  }
0xa: {  	[smem:$0x3FAB] =	sst s2  }
0xb: {  	[smem:$0x3FAC] =	sst s3  }
0xc: {  	[smem:$0x3FAD] =	sst s4  }
0xd: {  	[smem:$0x3FAE] =	sst s5  }
0xe: {  	[smem:$0x3FAF] =	sst s6  }
0xf: {  	[smem:$0x3FB0] =	sst s7  }
0x10: {  	[smem:$0x3FB1] =	sst s8  }
0x11: {  	[smem:$0x3FB2] =	sst s9;
	s0 =	simm.s32 @!p0 $0x0  }
0x12: {  	s1 =	sld [smem:$0x3F98];
	s0 =	simm.s32 @p0 $0x1  }
0x13: {  	[smem:$0x3FB3] =	sst s0;
	s0 =	simm.s32 @!p1 $0x0  }
0x14: {  	s2 =	sld [smem:$0x3F97];
	s0 =	simm.s32 @p1 $0x1  }
0x15: {  	[smem:$0x3FB4] =	sst s0;
	s0 =	simm.s32 @!p2 $0x0  }
0x16: {  	s3 =	sld [smem:$0x3FDB];
	s0 =	simm.s32 @p2 $0x1  }
0x17: {  	s4 =	simm.s32 $0x1BF5;
	[smem:$0x3FB6] =	sst s0  }
0x18: {  	s0 =	sld [smem:$0x3F99];
	_ =	swait.ge [sflag:s4], $0x0  }
0x19: {  	s7 =	sld [smem:$0x3F9A]  }
0x1a: {  	s8 =	sadd.s32 $0xFFFFE003, lr  }
0x1b: {  	s9 =	sadd.s32 $0xFFFFFEF7, lr;
	s5 =	simm.s32 $0xFFFFFFFF;
	p2 =	slt.u32 s8, $0xFFFFF086  }
0x1c: {  	p1 =	slt.u32 s9, $0xF7A;
	s5 =	simm.s32 @!p2 $0x0  }
0x1d: {  	s5 =	simm.s32 @p1 $0x1;
	p0 =	seq.s32 s7, s2  }
0x1e: {  	s7 =	smul.u32 @!p0 $0xF7A, s2;
	p2 =	seq.s32 @!p0 s5, $0x0  }
0x1f: {  	s9 =	smul.u32 $0xF7A, s1;
	s8 =	simm.s32 @!p0 $0x1BF5;
	p2 =	por !p2, p0  }
0x20: {  	[sflag:s8] =	ssyncset.s32 @!p0 $0xFFFFF086;
	s6 =	sadd.s32 @!p0 s3, s7;
	s7 =	simm.s32 @!p0 $0x108  }
0x21: {  	s3 =	sadd.s32 s3, s9;
	s6 =	sadd.s32 @!p0 $0x88, s6;
	s7 =	simm.s32 @p2 $0x1082  }
0x22: {  	[simem:s7], [sflag:s8] =	dma.local @!p0 [hbm:s6], $0xF7A  }
0x23: {  	s9 =	sor.u32 $0xD0000000, s2;
	s6 =	simm.s32 $0x108;
	_ =	swait.ge @!p0 [sflag:s8], $0x0  }
0x24: {  	s3 =	sadd.s32 $0x88, s3;
	s6 =	simm.s32 @!p1 $0x1082;
	[sflag:s4] =	ssyncset.s32 $0xFFFFF086  }
0x25: {  	[simem:s6], [sflag:s4] =	dma.local [hbm:s3], $0xF7A  }
0x26: {  	[smem:$0x3F9A] =	sst s1;
	(tag) =	ssettag s2;
	_ =	strace s9  }
0x27: {  	s1 =	sld [smem:$0x3FAA]  }
0x28: {  	s2 =	sld [smem:$0x3FAB]  }
0x29: {  	s4 =	sld [smem:$0x3FAD]  }
0x2a: {  	p0 =	seq.s32 s5, $0x0;
	s5 =	sld [smem:$0x3FAE]  }
0x2b: {  	s6 =	sld [smem:$0x3FAF]  }
0x2c: {  	s7 =	sld [smem:$0x3FB0]  }
0x2d: {  	s3 =	simm.s32 $0x108;
	s8 =	sld [smem:$0x3FB1]  }
0x2e: {  	s3 =	simm.s32 @!p0 $0x1082;
	s9 =	sld [smem:$0x3FB2]  }
0x2f: {  	lr =	sadd.s32 s0, s3;
	s0 =	sld [smem:$0x3FA9]  }
0x30: {  	s3 =	sld [smem:$0x3FAC]  }
0x31: {  	[smem:$0x3FB5] =	sst s10  }
0x32: {  	s10 =	sld [smem:$0x3FB3];
	_ =	sdelay $0x3  }
0x33: {  	p0 =	seq.s32 s10, $0x1;
	s10 =	sld [smem:$0x3FB5];
	_ =	sdelay $0x3  }
0x34: {  	[smem:$0x3FB5] =	sst s10  }
0x35: {  	s10 =	sld [smem:$0x3FB4];
	_ =	sdelay $0x3  }
0x36: {  	p1 =	seq.s32 s10, $0x1;
	s10 =	sld [smem:$0x3FB5];
	_ =	sdelay $0x3  }
0x37: {  	[smem:$0x3FB5] =	sst s10  }
0x38: {  	s10 =	sld [smem:$0x3FB6]  }
0x39: {  	_ = 	snop;
	(pc) =	sbr.ind lr, $3  }
0x3a: {  	_ = 	snop  }
0x3b: {  	_ = 	snop  }
0x3c: {  	p2 =	seq.s32 s10, $0x1;
	s10 =	sld [smem:$0x3FB5]  }
0x3d: {  	_ =	shalt  }
0x3e: {  	_ =	shalt  }
0x3f: {  	_ =	shalt  }
0x40: {  	_ =	shalt  }
0x41: {  	_ =	shalt  }
0x42: {  	_ =	shalt  }
0x43: {  	_ =	shalt  }
0x44: {  	_ =	shalt  }
0x45: {  	_ =	shalt  }
0x46: {  	_ =	shalt  }
0x47: {  	_ =	shalt  }
0x48: {  	_ =	shalt  }
0x49: {  	_ =	shalt  }
0x4a: {  	_ =	shalt  }
0x4b: {  	_ =	shalt  }
0x4c: {  	_ =	shalt  }
0x4d: {  	_ =	shalt  }
0x4e: {  	_ =	shalt  }
0x4f: {  	_ =	shalt  }
0x50: {  	_ =	shalt  }
0x51: {  	_ =	shalt  }
0x52: {  	_ =	shalt  }
0x53: {  	_ =	shalt  }
0x54: {  	_ =	shalt  }
0x55: {  	_ =	shalt  }
0x56: {  	_ =	shalt  }
0x57: {  	_ =	shalt  }
0x58: {  	_ =	shalt  }
0x59: {  	_ =	shalt  }
0x5a: {  	_ =	shalt  }
0x5b: {  	_ =	shalt  }
0x5c: {  	_ =	shalt  }
0x5d: {  	_ =	shalt  }
0x5e: {  	_ =	shalt  }
0x5f: {  	_ =	shalt  }
0x60: {  	_ =	shalt  }
0x61: {  	_ =	shalt  }
0x62: {  	_ =	shalt  }
0x63: {  	_ =	shalt  }
0x64: {  	_ =	shalt  }
0x65: {  	_ =	shalt  }
0x66: {  	_ =	shalt  }
0x67: {  	_ =	shalt  }
0x68: {  	_ =	shalt  }
0x69: {  	_ =	shalt  }
0x6a: {  	_ =	shalt  }
0x6b: {  	_ =	shalt  }
0x6c: {  	_ =	shalt  }
0x6d: {  	_ =	shalt  }
0x6e: {  	_ =	shalt  }
0x6f: {  	_ =	shalt  }
0x70: {  	_ =	shalt  }
0x71: {  	_ =	shalt  }
0x72: {  	_ =	shalt  }
0x73: {  	_ =	shalt  }
0x74: {  	_ =	shalt  }
0x75: {  	_ =	shalt  }
0x76: {  	_ =	shalt  }
0x77: {  	_ =	shalt  }
0x78: {  	_ =	shalt  }
0x79: {  	_ =	shalt  }
0x7a: {  	_ =	shalt  }
0x7b: {  	_ =	shalt  }
0x7c: {  	_ =	shalt  }
0x7d: {  	_ =	shalt  }
0x7e: {  	_ =	shalt  }
0x7f: {  	_ =	shalt  }
0x80: {  	_ =	shalt  }
0x81: {  	_ =	shalt  }
0x82: {  	_ =	shalt  }
0x83: {  	_ =	shalt  }
0x84: {  	_ =	shalt  }
0x85: {  	_ =	shalt  }
0x86: {  	_ =	shalt  }
0x87: {  	_ =	shalt  }
.Lfunc_end0:
.L_simem_size_0:
called_computation_lowered:
.L_overlay_start_0:
0x88: {  	s2 =	sld [smem:$0x3FD9]  }
0x89: {  	s3 =	sld [smem:$0x3FFE];
	_ =	sdelay $0x1  }
0x8a: {  	s1 =	srdreg.scid  }
0x8b: {  	s0 =	sand.u32 $0x1, s1  }
0x8c: {  	s17 =	sshll.u32 s0, $0xA;
	s2 =	sadd.s32 s3, s2  }
0x8d: {  	s2 =	sadd.s32 s2, s17  }
0x8e: {  	[smem:$0x3FC1] =	sst s2  }
0x8f: {  	_ = 	snop  }
0x90: {  	s2 =	sld [smem:$0x3FD0];
	(tm) =	ssettm $0x1  }
0x91: {  	s18 =	sld [smem:$0x3FFB];
	_ =	sdelay $0x3  }
0x92: {  	_ =	strace s18  }
0x93: {  	s3 =	sld [smem:$0x3FFC];
	_ =	sdelay $0x3  }
0x94: {  	_ =	strace s3  }
0x95: {  	s3 =	sld [smem:$0x3FFD];
	_ =	sdelay $0x3  }
0x96: {  	_ =	strace s3  }
0x97: {  	_ =	strace $0x8FFFFFFF  }
0x98: {  	s19 =	sld [smem:$0x3FDB];
	_ =	sdelay $0x1  }
0x99: {  	s4 =	simm.s32 $_scs_section_size  }
0x9a: {  	s5 =	simm.s32 $_size__tile_overlayer_lowered;
	s6 =	simm.s32 $_tile_overlayer_lowered  }
0x9b: {  	s22 =	simm.s32 $0x1BFF;
	s21 =	sshll.u32 s6, $0x1;
	s3 =	sadd.s32 s4, s19  }
0x9c: {  	s7 =	simm.s32 $0x0;
	s20 =	sshll.u32 s5, $0x1;
	s5 =	sadd.s32 s21, s3  }
0x9d: {  	[timem:s7], [sflag:s22] =	dma.local [hbm:s5], s20  }
0x9e: {  	_ =	swait.ge [sflag:s22], s20  }
0x9f: {  	s4 =	ssub.s32 $0x0, s20;
	[sflag:s22] =	ssyncset.done $0x0  }
0xa0: {  	[sflag:s22] =	ssyncadd.s32 s4;
	_ =	sdelay $0x1  }
0xa1: {  	s23 =	simm.s32 $0x1B8B  }
0xa2: {  	_ =	swait.ge [sflag:s23], $0x1  }
0xa3: {  	[sflag:s23] =	ssyncset.done $0x0  }
0xa4: {  	s25 =	simm.s32 $0x1B8E;
	s24 =	sld [smem:$0x3FFE];
	[sflag:s23] =	ssyncadd.s32 $0xFFFFFFFF  }
0xa5: {  	s26 =	simm.s32 $execute0_lowered;
	[smem:$0x3FD2] =	sst s25  }
0xa6: {  	s5 =	sshll.u32 s26, $0x1;
	_ =	strace $0x80000046;
	[dreg:$0x1] =	wrdreg $0xFFFFFFFF  }
0xa7: {  	s28 =	simm.s32 $_size_execute0_lowered;
	s3 =	sadd.s32 s3, s5;
	[dreg:$0x0] =	wrdreg $0x0  }
0xa8: {  	s5 =	sshll.u32 s28, $0x1;
	[dreg:$0x2] =	wrdreg s3  }
0xa9: {  	[dreg:$0x3] =	wrdreg s5  }
0xaa: {  	[dreg:$0x4] =	wrdreg $0xC0  }
0xab: {  	_ =	task [dreg:s7], $0x5FFFF  }
0xac: {  	[dreg:$0x1] =	wrdreg $0xFFFFFFFF  }
0xad: {  	[dreg:$0x0] =	wrdreg $0x60  }
0xae: {  	[dreg:$0x2] =	wrdreg s2  }
0xaf: {  	[dreg:$0x3] =	wrdreg s24  }
0xb0: {  	[dreg:$0x4] =	wrdreg $0x0  }
0xb1: {  	[dreg:$0x5] =	wrdreg $0x9  }
0xb2: {  	_ =	task.clear_ibuf [dreg:s7], $0x6FFFF;
	_ =	strace $0x90000046  }
0xb3: {  	s29 =	simm.s32 $0x9;
	_ =	strace $0x80000048  }
0xb4: {  	_ =	swait.ge [sflag:s29], $0x1  }
0xb5: {  	[sflag:s29] =	ssyncadd.s32 $0xFFFFFFFF  }
0xb6: {  	_ =	strace $0x90000048  }
0xb7: {  	_ =	sfence  }
0xb8: {  	s30 =	sld [smem:$0x0];
	_ =	sdelay $0x2  }
0xb9: {  	s31 =	sshll.u32 s1, $0xD;
	s1 =	sshrl.u32 s1, $0x2  }
0xba: {  	s3 =	sand.u32 $0x4000, s31;
	s1 =	sadd.s32 s1, s30  }
0xbb: {  	s0 =	sor.u32 s3, s0;
	s1 =	sshll.u32 s1, $0x11  }
0xbc: {  	s0 =	sor.u32 s1, s0  }
0xbd: {  	s0 =	sadd.s32 $0x8F2B, s0  }
0xbe: {  	[sflag:s0] =	ssyncadd.remote.s32 $0x1  }
0xbf: {  	_ =	sfence.sel $0xFFFF  }
0xc0: {  	[dreg:$0x0] =	wrdreg $0xFFFFFFFF;
	(pc) =	sbr.abs _section_cstart, $3  }
0xc1: {  	[dreg:$0x1] =	wrdreg $0xFFFFFFFF  }
0xc2: {  	_ =	task.clear_ibuf [dreg:s7], $0x2FFFF;
	_ =	strace $0x9FFFFFFF  }
0xc3: {  	(tm) =	ssettm $0x7FFFFFFF  }
tec
execute0_lowered:
.L_overlay_start_1:
0x0: {  	(tag) =	ssettag $0x1  }
0x1: {  	s7 =	rddreg [dreg:$0x0]  }
0x2: {  	s5 =	rddreg [dreg:$0x1]  }
0x3: {  	s2 =	rddreg [dreg:$0x2]  }
0x4: {  	s0 =	rddreg [dreg:$0x3];
	s3 =	simm.s32 $0x0;
	s1 =	stileid.u32  }
0x5: {  	s4 =	srdreg.scid;
	s13 =	simm.s32 $0x280;
	s14 =	simm.s32 $0x80  }
0x6: {  	s15 =	simm.s32 $0x2A80;
	[smem:$0x7FF] =	sst s3;
	s8 =	smul.u32 $0x500, s1  }
0x7: {  	s9 =	sand.u32 $0x1, s4;
	s11 =	smul.u32 $0x280, s1;
	s4 =	sadd.s32 $0x9800, s5  }
0x8: {  	s16 =	sshll.u32 s1, $0x6;
	_ =	strace $0x80000047;
	s6 =	ssub.s32 $0x2, s9  }
.Ltmp0:
0x9: {  	p0 =	seq.s32 s9, $0x1;
	s16 =	sor.u32 $0x1C01, s16;
	(pc) =	sbr.rel .LBB2_1-.Ltmp0, $4  }
0xa: {  	s10 =	sadd.s32 s8, s5;
	s5 =	sadd.s32 $0x9E00, s5;
	s12 =	sshrl.u32 s6, $0x1  }
0xb: {  	s7 =	sadd.s32 s7, s8;
	s8 =	sshrl.u32 s11, $0x3;
	s12 =	ssub.s32 s6, s12  }
0xc: {  	s6 =	sadd.s32 s11, s2;
	s9 =	sadd.s32 $0x4800, s10;
	s11 =	simm.s32 $0x2B00  }
0xd: {  	v0 =	vimm.f32 $1.000000000e+00;
	v1 =	vimm.f32 $0.0e+00;
	s10 =	smax.u32 s12, $0x1;
	s12 =	simm.s32 $0x1;
	s17 =	sshrl.u32 s6, $0x3  }
.LBB2_7:
0xe: {  	[sflag:s12] =	ssyncset.done $0x0  }
0xf: {  	s18 =	smov.u32 s5;
	[sflag:s12] =	ssyncadd.s32 $0xFFFFFF80  }
.LBB2_8:
0x10: {  	s3 =	sadd.s32 $0x1, s3  }
0x11: {  	p1 =	sne.s32 s3, s10  }
.Ltmp1:
0x12: {  	s18 =	sadd.s32 s18, s8;
	[bflag:$0x0] =	sbarrier.arrive $0xFFFF;
	(pc) =	sbr.rel @!p1 .LBB2_9-.Ltmp1, $4  }
0x13: {  	[hbm:s18], [sflag:s16] =	dma.local [spmem:s17], $0x50  }
0x14: {  	_ =	swait.ge [sflag:s12], $0x50  }
0x15: {  	[sflag:s12] =	ssyncset.done $0x0  }
0x16: {  	[sflag:s12] =	ssyncadd.s32 $0xFFFFFFB0  }
.LBB2_1:
0x17: {  	[tilespmem:$0x2A80] =	vst v0  }
0x18: {  	[tilespmem:$0x2A90] =	vst v0  }
0x19: {  	[tilespmem:$0x2AA0] =	vst v0  }
0x1a: {  	[tilespmem:$0x2AB0] =	vst v0  }
0x1b: {  	[tilespmem:$0x2AC0] =	vst v0  }
0x1c: {  	[tilespmem:$0x2AD0] =	vst v0  }
0x1d: {  	[tilespmem:$0x2AE0] =	vst v0  }
0x1e: {  	[tilespmem:$0x2AF0] =	vst v0  }
0x1f: {  	[tilespmem:$0x2B00] =	vst v1  }
0x20: {  	[tilespmem:$0x2B10] =	vst v1  }
0x21: {  	[tilespmem:$0x2B20] =	vst v1  }
0x22: {  	[tilespmem:$0x2B30] =	vst v1  }
0x23: {  	[tilespmem:$0x2B40] =	vst v1  }
0x24: {  	[tilespmem:$0x2B50] =	vst v1  }
0x25: {  	[tilespmem:$0x2B60] =	vst v1  }
0x26: {  	[tilespmem:$0x2B70] =	vst v1  }
0x27: {  	[tilespmem:$0x2B80] =	vst v1  }
0x28: {  	[tilespmem:$0x2B90] =	vst v1  }
0x29: {  	[tilespmem:$0x2BA0] =	vst v1  }
0x2a: {  	[tilespmem:$0x2BB0] =	vst v1  }
0x2b: {  	[tilespmem:$0x2BC0] =	vst v1  }
0x2c: {  	[tilespmem:$0x2BD0] =	vst v1  }
0x2d: {  	[tilespmem:$0x2BE0] =	vst v1  }
0x2e: {  	[tilespmem:$0x2BF0] =	vst v1  }
0x2f: {  	[tilespmem:$0x2C00] =	vst v1  }
0x30: {  	[tilespmem:$0x2C10] =	vst v1  }
0x31: {  	[tilespmem:$0x2C20] =	vst v1  }
0x32: {  	[tilespmem:$0x2C30] =	vst v1  }
0x33: {  	[tilespmem:$0x2C40] =	vst v1  }
0x34: {  	[tilespmem:$0x2C50] =	vst v1  }
0x35: {  	[tilespmem:$0x2C60] =	vst v1  }
0x36: {  	[tilespmem:$0x2C70] =	vst v1  }
0x37: {  	[tilespmem:$0x2C80] =	vst v1  }
0x38: {  	[tilespmem:$0x2C90] =	vst v1  }
0x39: {  	[tilespmem:$0x2CA0] =	vst v1  }
0x3a: {  	[tilespmem:$0x2CB0] =	vst v1  }
0x3b: {  	[tilespmem:$0x2CC0] =	vst v1  }
0x3c: {  	[tilespmem:$0x2CD0] =	vst v1  }
0x3d: {  	[tilespmem:$0x2CE0] =	vst v1  }
0x3e: {  	[tilespmem:$0x2CF0] =	vst v1  }
0x3f: {  	[tilespmem:$0x2D00] =	vst v1  }
0x40: {  	[tilespmem:$0x2D10] =	vst v1  }
0x41: {  	[tilespmem:$0x2D20] =	vst v1  }
0x42: {  	[tilespmem:$0x2D30] =	vst v1  }
0x43: {  	[tilespmem:$0x2D40] =	vst v1  }
0x44: {  	[tilespmem:$0x2D50] =	vst v1  }
0x45: {  	[tilespmem:$0x2D60] =	vst v1  }
.Ltmp2:
0x46: {  	[tilespmem:$0x2D70] =	vst v1;
	(pc) =	sbr.rel @!p0 .LBB2_2-.Ltmp2, $4  }
0x47: {  	[spmem:s6] =	stream.linear.scatter [tilespmem:s11], [sflag:$0x1], $0x280, $0x38;
	[tilespmem:$0x2D80] =	vst v63  }
0x48: {  	_ =	swait.ge [sflag:s12], $0x280  }
0x49: {  	[sflag:s12] =	ssyncset.done $0x0  }
0x4a: {  	s18 =	simm.s32 $0x0;
	[sflag:s12] =	ssyncadd.s32 $0xFFFFFD80  }
0x4b: {  	[tilespmem:s13], [sflag:$0x1] =	stream.linear.gather [hbm4b:s9+s18], $0x2780, $0x38;
	[tilespmem:$0x2D80] =	vst v63  }
0x4c: {  	_ =	swait.ge [sflag:s12], $0x2780  }
0x4d: {  	[sflag:s12] =	ssyncset.done $0x0  }
0x4e: {  	[sflag:s12] =	ssyncadd.s32 $0xFFFFD880  }
0x4f: {  	s31 =	simm.s32 $0x280;
	[bflag:$0x0] =	sbarrier.arrive $0xFFFF  }
0x50: {  	[spmem:s2] =	stream.indirect.scatter.add.f32 [tilespmem:s15], [sflag:$0x1], $0x1, s31, s14, $0xb8;
	[tilespmem:$0x2D80] =	vst v63  }
0x51: {  	s18 =	simm.s32 $0x200;
	_ =	swait.ge [sflag:s12], $0x80  }
.LBB2_6:
0x52: {  	s19 =	sshra.s32 s18, $0x2;
	[sflag:s12] =	ssyncset.done $0x0;
	p1 =	sne.s32 s18, $0x9C00  }
.Ltmp3:
0x53: {  	s19 =	sadd.s32 $0x280, s19;
	[sflag:s12] =	ssyncadd.s32 $0xFFFFFF80;
	(pc) =	sbr.rel @p1 .LBB2_6-.Ltmp3, $3  }
0x54: {  	[spmem:s2] =	stream.indirect.scatter.add.f32 [tilespmem:s15], [sflag:$0x1], $0x1, s19, s14, $0xb8;
	[tilespmem:$0x2D80] =	vst v63  }
0x55: {  	s18 =	sadd.s32 $0x200, s18;
	_ =	sdelay $0x1  }
0x56: {  	_ =	swait.ge [sflag:s12], $0x80  }
.Ltmp4:
0x57: {  	_ = 	snop;
	(pc) =	sbr.rel .LBB2_7-.Ltmp4, $1  }
0x58: {  	_ =	sdelay $0x3  }
.LBB2_2:
0x59: {  	[tilespmem:s13], [sflag:$0x1] =	stream.linear.gather [hbm4b:s7+s18], $0x2780, $0x38;
	[tilespmem:$0x2D80] =	vst v63  }
0x5a: {  	_ =	swait.ge [sflag:s12], $0x2780  }
0x5b: {  	[sflag:s12] =	ssyncset.done $0x0  }
0x5c: {  	[sflag:s12] =	ssyncadd.s32 $0xFFFFD880  }
0x5d: {  	s31 =	simm.s32 $0x280;
	[bflag:$0x0] =	sbarrier.arrive $0xFFFF  }
0x5e: {  	[spmem:s2] =	stream.indirect.scatter.add.f32 [tilespmem:s15], [sflag:$0x1], $0x1, s31, s14, $0xb8;
	[tilespmem:$0x2D80] =	vst v63  }
0x5f: {  	s18 =	simm.s32 $0x200;
	_ =	swait.ge [sflag:s12], $0x80  }
.LBB2_3:
0x60: {  	s19 =	sshra.s32 s18, $0x2;
	[sflag:s12] =	ssyncset.done $0x0;
	p1 =	seq.s32 s18, $0x9C00  }
.Ltmp5:
0x61: {  	s19 =	sadd.s32 $0x280, s19;
	[sflag:s12] =	ssyncadd.s32 $0xFFFFFF80;
	(pc) =	sbr.rel @!p1 .LBB2_3-.Ltmp5, $3  }
0x62: {  	[spmem:s2] =	stream.indirect.scatter.add.f32 [tilespmem:s15], [sflag:$0x1], $0x1, s19, s14, $0xb8;
	[tilespmem:$0x2D80] =	vst v63  }
0x63: {  	s18 =	sadd.s32 $0x200, s18;
	_ =	sdelay $0x1  }
0x64: {  	_ =	swait.ge [sflag:s12], $0x80  }
.Ltmp6:
0x65: {  	(pc) =	sbr.rel .LBB2_8-.Ltmp6, $3  }
0x66: {  	_ =	sdelay $0x1  }
0x67: {  	[sflag:s12] =	ssyncset.done $0x0  }
0x68: {  	s18 =	smov.u32 s4;
	[sflag:s12] =	ssyncadd.s32 $0xFFFFFF80  }
.LBB2_9:
0x69: {  	_ =	sfence.sel $0x180000  }
0x6a: {  	[bflag:$0x0] =	sbarrier.arrive $0xFFFF  }
0x6b: {  	p0 =	sne.s32 s1, $0x0;
	_ =	strace $0x90000047  }
0x6c: {  	s0 =	sadd.s32 @!p0 $0x100000, s0;
	[bflag:$0x2] =	sbarrier.arrive $0xFFFF  }
0x6d: {  	[sflag:s0] =	ssyncadd.tile.s32 @!p0 $0x1;
	_ =	shalt  }
.Lfunc_end2:
_tile_overlayer_lowered:
.L_overlay_start_2:
0x6e: {  	(tag) =	ssettag $0x2  }
0x6f: {  	s0 =	rddreg [dreg:$0x0];
	s2 =	stileid.u32  }
0x70: {  	s1 =	rddreg [dreg:$0x1];
	p0 =	sne.s32 s2, $0x0  }
0x71: {  	s3 =	rddreg [dreg:$0x2];
	[bflag:$0x3] =	sbarrier.arrive $0xFFFF;
	s2 =	simm.s32 @!p0 $0x1C01  }
0x72: {  	[timem:s3], [sflag:s2] =	dma.local @!p0 [hbm:s0], s1  }
0x73: {  	s0 =	simm.s32 @!p0 $0x1  }
0x74: {  	_ =	swait.ge @!p0 [sflag:s0], s1  }
0x75: {  	s1 =	ssub.s32 @!p0 $0x0, s1;
	[sflag:s0] =	ssyncset.done @!p0 $0x0  }
0x76: {  	[sflag:s0] =	ssyncadd.s32 @!p0 s1  }
0x77: {  	[bflag:$0x3] =	sbarrier.arrive $0xFFFF  }
0x78: {  	_ =	shalt  }

</sc_bundles>
